<compile_context>
chip_gen: v7x
topology: tpu7x:2x2x1
jax: 0.10.2.dev20260603
libtpu: 0.0.44.dev20260713+nightly
codegen_flags: <defaults>
</compile_context>

<pallas_src>
import functools

import jax
import jax.numpy as jnp
from jax import lax
from jax.experimental import pallas as pl
from jax.experimental.pallas import tpu as pltpu
from jax.experimental.pallas import tpu_sc as plsc

_B, _N, _D, _K = 16, 1024, 768, 8192
_T = _B * _N
_TM = 256
_TK = 512
_SUB = _K // _TK
_TT = _T // _TM


def _argmin_body(x_ref, cb2_ref, x2_ref, c2_ref, idx_ref, loss_ref, loss_scr):
    t = pl.program_id(0)

    x = x_ref[...].astype(jnp.bfloat16)
    x2 = x2_ref[...]

    rv = jnp.full((_TM,), jnp.inf, jnp.float32)
    ri = jnp.zeros((_TM,), jnp.int32)
    iota = lax.broadcasted_iota(jnp.int32, (_TM, _TK), 1)
    for s in range(_SUB):
        c = cb2_ref[s * _TK:(s + 1) * _TK, :].astype(jnp.bfloat16)
        dots2 = lax.dot_general(x, c, (((1,), (1,)), ((), ())),
                                preferred_element_type=jnp.float32)
        dist = (x2 - dots2) + c2_ref[:, s * _TK:(s + 1) * _TK]
        lmin = jnp.min(dist, axis=1)
        cand = jnp.where(dist == lmin[:, None], iota, _K)
        li = jnp.min(cand, axis=1)
        better = lmin < rv
        rv = jnp.where(better, lmin, rv)
        ri = jnp.where(better, li + s * _TK, ri)

    idx_ref[0, 0, :] = ri

    part = jnp.sum(rv)
    prev = jnp.where(t == 0, 0.0, loss_scr[0, 0])
    loss_scr[0, 0] = prev + part

    @pl.when(t == _TT - 1)
    def _():
        loss_ref[0, 0] = loss_scr[0, 0] / jnp.float32(_T * _D)


def _assign(x_flat, codebook2, x2_col, c2_row):
    return pl.pallas_call(
        _argmin_body,
        grid=(_TT,),
        in_specs=[
            pl.BlockSpec((_TM, _D), lambda t: (t, 0)),
            pl.BlockSpec((_K, _D), lambda t: (0, 0)),
            pl.BlockSpec((_TM, 1), lambda t: (t, 0)),
            pl.BlockSpec((1, _K), lambda t: (0, 0)),
        ],
        out_specs=[
            pl.BlockSpec((1, 1, _TM), lambda t: (t, 0, 0)),
            pl.BlockSpec(block_shape=(1, 1), index_map=lambda t: (0, 0),
                         memory_space=pltpu.SMEM),
        ],
        out_shape=[
            jax.ShapeDtypeStruct((_TT, 1, _TM), jnp.int32),
            jax.ShapeDtypeStruct((1, 1), jnp.float32),
        ],
        scratch_shapes=[
            pltpu.SMEM((1, 1), jnp.float32),
        ],
    )(x_flat, codebook2, x2_col, c2_row)



_NC, _NS = 2, 16
_NW = _NC * _NS
_RPW = _T // _NW
_CHUNK = 64
_NCHUNK = _RPW // _CHUNK


def _gather_body(cb_hbm, idx_hbm, out_hbm,
                 idx_v0, idx_v1, rows_v0, rows_v1, sem0, sem1):
    wid = lax.axis_index("s") * _NC + lax.axis_index("c")
    base = wid * _RPW
    idxv, rowsv, sems = (idx_v0, idx_v1), (rows_v0, rows_v1), (sem0, sem1)

    pltpu.sync_copy(idx_hbm.at[pl.ds(base, _CHUNK)], idx_v0)
    pending = [None, None]
    pending[0] = pltpu.async_copy(cb_hbm.at[idx_v0], rows_v0, sem0)
    for i in range(_NCHUNK):
        b = i & 1
        if i + 1 < _NCHUNK:
            nb = 1 - b
            off1 = base + (i + 1) * _CHUNK
            pltpu.sync_copy(idx_hbm.at[pl.ds(off1, _CHUNK)], idxv[nb])
            pending[nb] = pltpu.async_copy(cb_hbm.at[idxv[nb]], rowsv[nb],
                                           sems[nb])
        pending[b].wait()
        pltpu.sync_copy(rowsv[b], out_hbm.at[pl.ds(base + i * _CHUNK, _CHUNK)])


@functools.cache
def _gather_kernel():
    return pl.kernel(
        _gather_body,
        out_type=jax.ShapeDtypeStruct((_T, _D), jnp.float32),
        mesh=plsc.VectorSubcoreMesh(core_axis_name="c", subcore_axis_name="s",
                                    num_cores=_NC),
        scratch_types=[
            pltpu.VMEM((_CHUNK,), jnp.int32),
            pltpu.VMEM((_CHUNK,), jnp.int32),
            pltpu.VMEM((_CHUNK, _D), jnp.float32),
            pltpu.VMEM((_CHUNK, _D), jnp.float32),
            pltpu.SemaphoreType.DMA,
            pltpu.SemaphoreType.DMA,
        ],
    )


def kernel(token, codebook):
    x2 = jnp.sum(token * token, axis=-1, keepdims=True)
    c2 = jnp.sum(codebook * codebook, axis=-1)
    x_flat = token.reshape(_T, _D)
    idx3, loss2 = _assign(x_flat, codebook * 2.0,
                          x2.reshape(_T, 1), c2.reshape(1, _K))
    idx_flat = idx3.reshape(_T)
    quant = _gather_kernel()(codebook, idx_flat).reshape(_B, _N, _D)
    indices = idx_flat.reshape(_B, _N)
    return quant, indices, token, loss2[0, 0]

# --- scband reference (transcript-rebuilt; emitter-appended) ---
"""Pipeline reference for scband-kmquantizer-24343874633975 (READ-ONLY COPY).

The authoritative reference and input builder live on the scoring server;
editing this copy changes nothing except your own understanding.
"""

import jax, jax.numpy as jnp
import numpy as np

B, N, D, K = 16, 1024, 768, 8192

def setup_inputs(seed: int = 0) -> dict:
    key = jax.random.key(seed)
    k1, k2 = jax.random.split(key)
    token = jax.random.normal(k1, (B, N, D), dtype=jnp.float32)
    # stands in for np.load(centroids): fixed (non-learned, EMA decay=1.0) codebook [K, D]
    codebook = jax.random.normal(k2, (K, D), dtype=jnp.float32)
    return {"token": token, "codebook": codebook}

def reference(token, codebook):
    # KMQuantizer.forward -> GroupedResidualVQ(groups=1, num_quantizers=1) == single euclidean VQ layer
    x = token
    # squared euclidean distance: ||x||^2 - 2 x.c + ||c||^2  (the 2xK matmul dominates -> compute bound)
    x2 = jnp.sum(x * x, axis=-1, keepdims=True)                 # [B, N, 1]
    c2 = jnp.sum(codebook * codebook, axis=-1)                  # [K]
    dots = jnp.einsum('bnd,kd->bnk', x, codebook)               # [B, N, K]
    dist = x2 - 2.0 * dots + c2[None, None, :]
    indices = jnp.argmin(dist, axis=-1)                         # [B, N]  (== outputs['indices'] = indices[0] group)
    quantized_hard = jnp.take(codebook, indices, axis=0)        # [B, N, D]
    # straight-through estimator as in vector-quantize-pytorch
    quantized = x + jax.lax.stop_gradient(quantized_hard - x)
    # commitment loss (commitment_weight=1.0 default); codebook is EMA-frozen (decay=1.0)
    commitment_loss = jnp.mean((jax.lax.stop_gradient(quantized_hard) - x) ** 2)
    # dict outputs flattened to tuple: (indices, quantize, non_quantized, commitment_loss)
    return quantized, indices, token, commitment_loss

if __name__ == "__main__":
    import jax
    _d = setup_inputs()
    print(jax.jit(kernel)(*tuple(_d.values())))

</pallas_src>

<mosaic_0001>
#map = affine_map<(d0, d1) -> (0, 0)>
#map1 = affine_map<(d0, d1) -> (0)>
module attributes {stable_mosaic.version = 14 : i64} {
  func.func @_gather_body(%arg0: i32, %arg1: i32, %arg2: memref<8192x768xf32, #tpu.memory_space<hbm>>, %arg3: memref<16384xi32, #tpu.memory_space<hbm>>, %arg4: memref<16384x768xf32, #tpu.memory_space<hbm>>, %arg5: memref<64xi32, #tpu.memory_space<vmem>>, %arg6: memref<64xi32, #tpu.memory_space<vmem>>, %arg7: memref<64x768xf32, #tpu.memory_space<vmem>>, %arg8: memref<64x768xf32, #tpu.memory_space<vmem>>, %arg9: memref<!tpu.dma_semaphore, #tpu.memory_space<semaphore_mem>>, %arg10: memref<!tpu.dma_semaphore, #tpu.memory_space<semaphore_mem>>) attributes {dimension_semantics = [#tpu.dimension_semantics<core_parallel>, #tpu.dimension_semantics<subcore_parallel>], iteration_bounds = array<i64: 2, 16>, scalar_prefetch = 0 : i64, scratch_operands = 6 : i64, tpu.core_type = #tpu.core_type<sc_vector_subcore>, window_params = [{transform_indices = #map}, {transform_indices = #map1}, {transform_indices = #map}]} {
    %mul3A = arith.constant 2 : i32
    %mul3A_0 = arith.muli %arg1, %mul3A : i32
    %add3A = arith.addi %mul3A_0, %arg0 : i32
    %mul3A_1 = arith.constant 512 : i32
    %mul3A_2 = arith.muli %add3A, %mul3A_1 : i32
    "tpu.region"() ({
      %run_scoped3A = tpu.sem_alloc : memref<!tpu.dma_semaphore, #tpu.memory_space<semaphore_mem>>
      %dma_start3A_79 = tpu.memref_slice %arg3[%mul3A_2] : memref<16384xi32, #tpu.memory_space<hbm>> -> memref<64xi32, #tpu.memory_space<hbm>>
      %dma_start3A_80 = tpu.memref_slice %arg3[%mul3A_2] : memref<16384xi32, #tpu.memory_space<hbm>> -> memref<64xi32, #tpu.memory_space<hbm>>
      tpu.enqueue_dma source(%dma_start3A_80 : memref<64xi32, #tpu.memory_space<hbm>>) target(%arg5 : memref<64xi32, #tpu.memory_space<vmem>>) target_semaphore(%run_scoped3A : memref<!tpu.dma_semaphore, #tpu.memory_space<semaphore_mem>>)
      %dma_wait3A_81 = tpu.memref_slice %arg3[%mul3A_2] : memref<16384xi32, #tpu.memory_space<hbm>> -> memref<64xi32, #tpu.memory_space<hbm>>
      %dma_wait3A_82 = tpu.memref_slice %arg3[%mul3A_2] : memref<16384xi32, #tpu.memory_space<hbm>> -> memref<64xi32, #tpu.memory_space<hbm>>
      tpu.wait_dma2 semaphore(%run_scoped3A : memref<!tpu.dma_semaphore, #tpu.memory_space<semaphore_mem>>) src(%dma_wait3A_82 : memref<64xi32, #tpu.memory_space<hbm>>) dst(%arg5 : memref<64xi32, #tpu.memory_space<vmem>>)
      tpu.yield
    }) : () -> ()
    %dma_start3A = arith.constant 0 : i32
    %dma_start3A_3 = arith.constant 0 : i32
    %dma_start3A_4 = tpu.memref_slice %arg2[%dma_start3A, %dma_start3A_3] : memref<8192x768xf32, #tpu.memory_space<hbm>> -> memref<8192x768xf32, #tpu.memory_space<hbm>>
    tpu.enqueue_indirect_dma source(%dma_start3A_4 : memref<8192x768xf32, #tpu.memory_space<hbm>>) target(%arg7 : memref<64x768xf32, #tpu.memory_space<vmem>>) offsets(%arg5 : memref<64xi32, #tpu.memory_space<vmem>>) semaphore(%arg9 : memref<!tpu.dma_semaphore, #tpu.memory_space<semaphore_mem>>)
    %add3A_5 = arith.constant 64 : i32
    %add3A_6 = arith.addi %mul3A_2, %add3A_5 : i32
    "tpu.region"() ({
      %run_scoped3A = tpu.sem_alloc : memref<!tpu.dma_semaphore, #tpu.memory_space<semaphore_mem>>
      %dma_start3A_79 = tpu.memref_slice %arg3[%add3A_6] : memref<16384xi32, #tpu.memory_space<hbm>> -> memref<64xi32, #tpu.memory_space<hbm>>
      %dma_start3A_80 = tpu.memref_slice %arg3[%add3A_6] : memref<16384xi32, #tpu.memory_space<hbm>> -> memref<64xi32, #tpu.memory_space<hbm>>
      tpu.enqueue_dma source(%dma_start3A_80 : memref<64xi32, #tpu.memory_space<hbm>>) target(%arg6 : memref<64xi32, #tpu.memory_space<vmem>>) target_semaphore(%run_scoped3A : memref<!tpu.dma_semaphore, #tpu.memory_space<semaphore_mem>>)
      %dma_wait3A_81 = tpu.memref_slice %arg3[%add3A_6] : memref<16384xi32, #tpu.memory_space<hbm>> -> memref<64xi32, #tpu.memory_space<hbm>>
      %dma_wait3A_82 = tpu.memref_slice %arg3[%add3A_6] : memref<16384xi32, #tpu.memory_space<hbm>> -> memref<64xi32, #tpu.memory_space<hbm>>
      tpu.wait_dma2 semaphore(%run_scoped3A : memref<!tpu.dma_semaphore, #tpu.memory_space<semaphore_mem>>) src(%dma_wait3A_82 : memref<64xi32, #tpu.memory_space<hbm>>) dst(%arg6 : memref<64xi32, #tpu.memory_space<vmem>>)
      tpu.yield
    }) : () -> ()
    %dma_start3A_7 = arith.constant 0 : i32
    %dma_start3A_8 = arith.constant 0 : i32
    %dma_start3A_9 = tpu.memref_slice %arg2[%dma_start3A_7, %dma_start3A_8] : memref<8192x768xf32, #tpu.memory_space<hbm>> -> memref<8192x768xf32, #tpu.memory_space<hbm>>
    tpu.enqueue_indirect_dma source(%dma_start3A_9 : memref<8192x768xf32, #tpu.memory_space<hbm>>) target(%arg8 : memref<64x768xf32, #tpu.memory_space<vmem>>) offsets(%arg6 : memref<64xi32, #tpu.memory_space<vmem>>) semaphore(%arg10 : memref<!tpu.dma_semaphore, #tpu.memory_space<semaphore_mem>>)
    %dma_wait3A = arith.constant 0 : i32
    %dma_wait3A_10 = arith.constant 0 : i32
    %dma_wait3A_11 = tpu.memref_slice %arg2[%dma_wait3A, %dma_wait3A_10] : memref<8192x768xf32, #tpu.memory_space<hbm>> -> memref<8192x768xf32, #tpu.memory_space<hbm>>
    tpu.wait_indirect_dma semaphore(%arg9 : memref<!tpu.dma_semaphore, #tpu.memory_space<semaphore_mem>>) src(%dma_wait3A_11 : memref<8192x768xf32, #tpu.memory_space<hbm>>) dst(%arg7 : memref<64x768xf32, #tpu.memory_space<vmem>>)
    %add3A_12 = arith.constant 0 : i32
    %add3A_13 = arith.addi %mul3A_2, %add3A_12 : i32
    "tpu.region"() ({
      %run_scoped3A = tpu.sem_alloc : memref<!tpu.dma_semaphore, #tpu.memory_space<semaphore_mem>>
      %dma_start3A_79 = arith.constant 0 : i32
      %dma_start3A_80 = tpu.memref_slice %arg4[%add3A_13, %dma_start3A_79] : memref<16384x768xf32, #tpu.memory_space<hbm>> -> memref<64x768xf32, #tpu.memory_space<hbm>>
      %dma_start3A_81 = arith.constant 0 : i32
      %dma_start3A_82 = tpu.memref_slice %arg4[%add3A_13, %dma_start3A_81] : memref<16384x768xf32, #tpu.memory_space<hbm>> -> memref<64x768xf32, #tpu.memory_space<hbm>>
      tpu.enqueue_dma source(%arg7 : memref<64x768xf32, #tpu.memory_space<vmem>>) target(%dma_start3A_82 : memref<64x768xf32, #tpu.memory_space<hbm>>) target_semaphore(%run_scoped3A : memref<!tpu.dma_semaphore, #tpu.memory_space<semaphore_mem>>)
      %dma_wait3A_83 = arith.constant 0 : i32
      %dma_wait3A_84 = tpu.memref_slice %arg4[%add3A_13, %dma_wait3A_83] : memref<16384x768xf32, #tpu.memory_space<hbm>> -> memref<64x768xf32, #tpu.memory_space<hbm>>
      %dma_wait3A_85 = arith.constant 0 : i32
      %dma_wait3A_86 = tpu.memref_slice %arg4[%add3A_13, %dma_wait3A_85] : memref<16384x768xf32, #tpu.memory_space<hbm>> -> memref<64x768xf32, #tpu.memory_space<hbm>>
      tpu.wait_dma2 semaphore(%run_scoped3A : memref<!tpu.dma_semaphore, #tpu.memory_space<semaphore_mem>>) src(%arg7 : memref<64x768xf32, #tpu.memory_space<vmem>>) dst(%dma_wait3A_86 : memref<64x768xf32, #tpu.memory_space<hbm>>)
      tpu.yield
    }) : () -> ()
    %add3A_14 = arith.constant 128 : i32
    %add3A_15 = arith.addi %mul3A_2, %add3A_14 : i32
    "tpu.region"() ({
      %run_scoped3A = tpu.sem_alloc : memref<!tpu.dma_semaphore, #tpu.memory_space<semaphore_mem>>
      %dma_start3A_79 = tpu.memref_slice %arg3[%add3A_15] : memref<16384xi32, #tpu.memory_space<hbm>> -> memref<64xi32, #tpu.memory_space<hbm>>
      %dma_start3A_80 = tpu.memref_slice %arg3[%add3A_15] : memref<16384xi32, #tpu.memory_space<hbm>> -> memref<64xi32, #tpu.memory_space<hbm>>
      tpu.enqueue_dma source(%dma_start3A_80 : memref<64xi32, #tpu.memory_space<hbm>>) target(%arg5 : memref<64xi32, #tpu.memory_space<vmem>>) target_semaphore(%run_scoped3A : memref<!tpu.dma_semaphore, #tpu.memory_space<semaphore_mem>>)
      %dma_wait3A_81 = tpu.memref_slice %arg3[%add3A_15] : memref<16384xi32, #tpu.memory_space<hbm>> -> memref<64xi32, #tpu.memory_space<hbm>>
      %dma_wait3A_82 = tpu.memref_slice %arg3[%add3A_15] : memref<16384xi32, #tpu.memory_space<hbm>> -> memref<64xi32, #tpu.memory_space<hbm>>
      tpu.wait_dma2 semaphore(%run_scoped3A : memref<!tpu.dma_semaphore, #tpu.memory_space<semaphore_mem>>) src(%dma_wait3A_82 : memref<64xi32, #tpu.memory_space<hbm>>) dst(%arg5 : memref<64xi32, #tpu.memory_space<vmem>>)
      tpu.yield
    }) : () -> ()
    %dma_start3A_16 = arith.constant 0 : i32
    %dma_start3A_17 = arith.constant 0 : i32
    %dma_start3A_18 = tpu.memref_slice %arg2[%dma_start3A_16, %dma_start3A_17] : memref<8192x768xf32, #tpu.memory_space<hbm>> -> memref<8192x768xf32, #tpu.memory_space<hbm>>
    tpu.enqueue_indirect_dma source(%dma_start3A_18 : memref<8192x768xf32, #tpu.memory_space<hbm>>) target(%arg7 : memref<64x768xf32, #tpu.memory_space<vmem>>) offsets(%arg5 : memref<64xi32, #tpu.memory_space<vmem>>) semaphore(%arg9 : memref<!tpu.dma_semaphore, #tpu.memory_space<semaphore_mem>>)
    %dma_wait3A_19 = arith.constant 0 : i32
    %dma_wait3A_20 = arith.constant 0 : i32
    %dma_wait3A_21 = tpu.memref_slice %arg2[%dma_wait3A_19, %dma_wait3A_20] : memref<8192x768xf32, #tpu.memory_space<hbm>> -> memref<8192x768xf32, #tpu.memory_space<hbm>>
    tpu.wait_indirect_dma semaphore(%arg10 : memref<!tpu.dma_semaphore, #tpu.memory_space<semaphore_mem>>) src(%dma_wait3A_21 : memref<8192x768xf32, #tpu.memory_space<hbm>>) dst(%arg8 : memref<64x768xf32, #tpu.memory_space<vmem>>)
    %add3A_22 = arith.constant 64 : i32
    %add3A_23 = arith.addi %mul3A_2, %add3A_22 : i32
    "tpu.region"() ({
      %run_scoped3A = tpu.sem_alloc : memref<!tpu.dma_semaphore, #tpu.memory_space<semaphore_mem>>
      %dma_start3A_79 = arith.constant 0 : i32
      %dma_start3A_80 = tpu.memref_slice %arg4[%add3A_23, %dma_start3A_79] : memref<16384x768xf32, #tpu.memory_space<hbm>> -> memref<64x768xf32, #tpu.memory_space<hbm>>
      %dma_start3A_81 = arith.constant 0 : i32
      %dma_start3A_82 = tpu.memref_slice %arg4[%add3A_23, %dma_start3A_81] : memref<16384x768xf32, #tpu.memory_space<hbm>> -> memref<64x768xf32, #tpu.memory_space<hbm>>
      tpu.enqueue_dma source(%arg8 : memref<64x768xf32, #tpu.memory_space<vmem>>) target(%dma_start3A_82 : memref<64x768xf32, #tpu.memory_space<hbm>>) target_semaphore(%run_scoped3A : memref<!tpu.dma_semaphore, #tpu.memory_space<semaphore_mem>>)
      %dma_wait3A_83 = arith.constant 0 : i32
      %dma_wait3A_84 = tpu.memref_slice %arg4[%add3A_23, %dma_wait3A_83] : memref<16384x768xf32, #tpu.memory_space<hbm>> -> memref<64x768xf32, #tpu.memory_space<hbm>>
      %dma_wait3A_85 = arith.constant 0 : i32
      %dma_wait3A_86 = tpu.memref_slice %arg4[%add3A_23, %dma_wait3A_85] : memref<16384x768xf32, #tpu.memory_space<hbm>> -> memref<64x768xf32, #tpu.memory_space<hbm>>
      tpu.wait_dma2 semaphore(%run_scoped3A : memref<!tpu.dma_semaphore, #tpu.memory_space<semaphore_mem>>) src(%arg8 : memref<64x768xf32, #tpu.memory_space<vmem>>) dst(%dma_wait3A_86 : memref<64x768xf32, #tpu.memory_space<hbm>>)
      tpu.yield
    }) : () -> ()
    %add3A_24 = arith.constant 192 : i32
    %add3A_25 = arith.addi %mul3A_2, %add3A_24 : i32
    "tpu.region"() ({
      %run_scoped3A = tpu.sem_alloc : memref<!tpu.dma_semaphore, #tpu.memory_space<semaphore_mem>>
      %dma_start3A_79 = tpu.memref_slice %arg3[%add3A_25] : memref<16384xi32, #tpu.memory_space<hbm>> -> memref<64xi32, #tpu.memory_space<hbm>>
      %dma_start3A_80 = tpu.memref_slice %arg3[%add3A_25] : memref<16384xi32, #tpu.memory_space<hbm>> -> memref<64xi32, #tpu.memory_space<hbm>>
      tpu.enqueue_dma source(%dma_start3A_80 : memref<64xi32, #tpu.memory_space<hbm>>) target(%arg6 : memref<64xi32, #tpu.memory_space<vmem>>) target_semaphore(%run_scoped3A : memref<!tpu.dma_semaphore, #tpu.memory_space<semaphore_mem>>)
      %dma_wait3A_81 = tpu.memref_slice %arg3[%add3A_25] : memref<16384xi32, #tpu.memory_space<hbm>> -> memref<64xi32, #tpu.memory_space<hbm>>
      %dma_wait3A_82 = tpu.memref_slice %arg3[%add3A_25] : memref<16384xi32, #tpu.memory_space<hbm>> -> memref<64xi32, #tpu.memory_space<hbm>>
      tpu.wait_dma2 semaphore(%run_scoped3A : memref<!tpu.dma_semaphore, #tpu.memory_space<semaphore_mem>>) src(%dma_wait3A_82 : memref<64xi32, #tpu.memory_space<hbm>>) dst(%arg6 : memref<64xi32, #tpu.memory_space<vmem>>)
      tpu.yield
    }) : () -> ()
    %dma_start3A_26 = arith.constant 0 : i32
    %dma_start3A_27 = arith.constant 0 : i32
    %dma_start3A_28 = tpu.memref_slice %arg2[%dma_start3A_26, %dma_start3A_27] : memref<8192x768xf32, #tpu.memory_space<hbm>> -> memref<8192x768xf32, #tpu.memory_space<hbm>>
    tpu.enqueue_indirect_dma source(%dma_start3A_28 : memref<8192x768xf32, #tpu.memory_space<hbm>>) target(%arg8 : memref<64x768xf32, #tpu.memory_space<vmem>>) offsets(%arg6 : memref<64xi32, #tpu.memory_space<vmem>>) semaphore(%arg10 : memref<!tpu.dma_semaphore, #tpu.memory_space<semaphore_mem>>)
    %dma_wait3A_29 = arith.constant 0 : i32
    %dma_wait3A_30 = arith.constant 0 : i32
    %dma_wait3A_31 = tpu.memref_slice %arg2[%dma_wait3A_29, %dma_wait3A_30] : memref<8192x768xf32, #tpu.memory_space<hbm>> -> memref<8192x768xf32, #tpu.memory_space<hbm>>
    tpu.wait_indirect_dma semaphore(%arg9 : memref<!tpu.dma_semaphore, #tpu.memory_space<semaphore_mem>>) src(%dma_wait3A_31 : memref<8192x768xf32, #tpu.memory_space<hbm>>) dst(%arg7 : memref<64x768xf32, #tpu.memory_space<vmem>>)
    %add3A_32 = arith.constant 128 : i32
    %add3A_33 = arith.addi %mul3A_2, %add3A_32 : i32
    "tpu.region"() ({
      %run_scoped3A = tpu.sem_alloc : memref<!tpu.dma_semaphore, #tpu.memory_space<semaphore_mem>>
      %dma_start3A_79 = arith.constant 0 : i32
      %dma_start3A_80 = tpu.memref_slice %arg4[%add3A_33, %dma_start3A_79] : memref<16384x768xf32, #tpu.memory_space<hbm>> -> memref<64x768xf32, #tpu.memory_space<hbm>>
      %dma_start3A_81 = arith.constant 0 : i32
      %dma_start3A_82 = tpu.memref_slice %arg4[%add3A_33, %dma_start3A_81] : memref<16384x768xf32, #tpu.memory_space<hbm>> -> memref<64x768xf32, #tpu.memory_space<hbm>>
      tpu.enqueue_dma source(%arg7 : memref<64x768xf32, #tpu.memory_space<vmem>>) target(%dma_start3A_82 : memref<64x768xf32, #tpu.memory_space<hbm>>) target_semaphore(%run_scoped3A : memref<!tpu.dma_semaphore, #tpu.memory_space<semaphore_mem>>)
      %dma_wait3A_83 = arith.constant 0 : i32
      %dma_wait3A_84 = tpu.memref_slice %arg4[%add3A_33, %dma_wait3A_83] : memref<16384x768xf32, #tpu.memory_space<hbm>> -> memref<64x768xf32, #tpu.memory_space<hbm>>
      %dma_wait3A_85 = arith.constant 0 : i32
      %dma_wait3A_86 = tpu.memref_slice %arg4[%add3A_33, %dma_wait3A_85] : memref<16384x768xf32, #tpu.memory_space<hbm>> -> memref<64x768xf32, #tpu.memory_space<hbm>>
      tpu.wait_dma2 semaphore(%run_scoped3A : memref<!tpu.dma_semaphore, #tpu.memory_space<semaphore_mem>>) src(%arg7 : memref<64x768xf32, #tpu.memory_space<vmem>>) dst(%dma_wait3A_86 : memref<64x768xf32, #tpu.memory_space<hbm>>)
      tpu.yield
    }) : () -> ()
    %add3A_34 = arith.constant 256 : i32
    %add3A_35 = arith.addi %mul3A_2, %add3A_34 : i32
    "tpu.region"() ({
      %run_scoped3A = tpu.sem_alloc : memref<!tpu.dma_semaphore, #tpu.memory_space<semaphore_mem>>
      %dma_start3A_79 = tpu.memref_slice %arg3[%add3A_35] : memref<16384xi32, #tpu.memory_space<hbm>> -> memref<64xi32, #tpu.memory_space<hbm>>
      %dma_start3A_80 = tpu.memref_slice %arg3[%add3A_35] : memref<16384xi32, #tpu.memory_space<hbm>> -> memref<64xi32, #tpu.memory_space<hbm>>
      tpu.enqueue_dma source(%dma_start3A_80 : memref<64xi32, #tpu.memory_space<hbm>>) target(%arg5 : memref<64xi32, #tpu.memory_space<vmem>>) target_semaphore(%run_scoped3A : memref<!tpu.dma_semaphore, #tpu.memory_space<semaphore_mem>>)
      %dma_wait3A_81 = tpu.memref_slice %arg3[%add3A_35] : memref<16384xi32, #tpu.memory_space<hbm>> -> memref<64xi32, #tpu.memory_space<hbm>>
      %dma_wait3A_82 = tpu.memref_slice %arg3[%add3A_35] : memref<16384xi32, #tpu.memory_space<hbm>> -> memref<64xi32, #tpu.memory_space<hbm>>
      tpu.wait_dma2 semaphore(%run_scoped3A : memref<!tpu.dma_semaphore, #tpu.memory_space<semaphore_mem>>) src(%dma_wait3A_82 : memref<64xi32, #tpu.memory_space<hbm>>) dst(%arg5 : memref<64xi32, #tpu.memory_space<vmem>>)
      tpu.yield
    }) : () -> ()
    %dma_start3A_36 = arith.constant 0 : i32
    %dma_start3A_37 = arith.constant 0 : i32
    %dma_start3A_38 = tpu.memref_slice %arg2[%dma_start3A_36, %dma_start3A_37] : memref<8192x768xf32, #tpu.memory_space<hbm>> -> memref<8192x768xf32, #tpu.memory_space<hbm>>
    tpu.enqueue_indirect_dma source(%dma_start3A_38 : memref<8192x768xf32, #tpu.memory_space<hbm>>) target(%arg7 : memref<64x768xf32, #tpu.memory_space<vmem>>) offsets(%arg5 : memref<64xi32, #tpu.memory_space<vmem>>) semaphore(%arg9 : memref<!tpu.dma_semaphore, #tpu.memory_space<semaphore_mem>>)
    %dma_wait3A_39 = arith.constant 0 : i32
    %dma_wait3A_40 = arith.constant 0 : i32
    %dma_wait3A_41 = tpu.memref_slice %arg2[%dma_wait3A_39, %dma_wait3A_40] : memref<8192x768xf32, #tpu.memory_space<hbm>> -> memref<8192x768xf32, #tpu.memory_space<hbm>>
    tpu.wait_indirect_dma semaphore(%arg10 : memref<!tpu.dma_semaphore, #tpu.memory_space<semaphore_mem>>) src(%dma_wait3A_41 : memref<8192x768xf32, #tpu.memory_space<hbm>>) dst(%arg8 : memref<64x768xf32, #tpu.memory_space<vmem>>)
    %add3A_42 = arith.constant 192 : i32
    %add3A_43 = arith.addi %mul3A_2, %add3A_42 : i32
    "tpu.region"() ({
      %run_scoped3A = tpu.sem_alloc : memref<!tpu.dma_semaphore, #tpu.memory_space<semaphore_mem>>
      %dma_start3A_79 = arith.constant 0 : i32
      %dma_start3A_80 = tpu.memref_slice %arg4[%add3A_43, %dma_start3A_79] : memref<16384x768xf32, #tpu.memory_space<hbm>> -> memref<64x768xf32, #tpu.memory_space<hbm>>
      %dma_start3A_81 = arith.constant 0 : i32
      %dma_start3A_82 = tpu.memref_slice %arg4[%add3A_43, %dma_start3A_81] : memref<16384x768xf32, #tpu.memory_space<hbm>> -> memref<64x768xf32, #tpu.memory_space<hbm>>
      tpu.enqueue_dma source(%arg8 : memref<64x768xf32, #tpu.memory_space<vmem>>) target(%dma_start3A_82 : memref<64x768xf32, #tpu.memory_space<hbm>>) target_semaphore(%run_scoped3A : memref<!tpu.dma_semaphore, #tpu.memory_space<semaphore_mem>>)
      %dma_wait3A_83 = arith.constant 0 : i32
      %dma_wait3A_84 = tpu.memref_slice %arg4[%add3A_43, %dma_wait3A_83] : memref<16384x768xf32, #tpu.memory_space<hbm>> -> memref<64x768xf32, #tpu.memory_space<hbm>>
      %dma_wait3A_85 = arith.constant 0 : i32
      %dma_wait3A_86 = tpu.memref_slice %arg4[%add3A_43, %dma_wait3A_85] : memref<16384x768xf32, #tpu.memory_space<hbm>> -> memref<64x768xf32, #tpu.memory_space<hbm>>
      tpu.wait_dma2 semaphore(%run_scoped3A : memref<!tpu.dma_semaphore, #tpu.memory_space<semaphore_mem>>) src(%arg8 : memref<64x768xf32, #tpu.memory_space<vmem>>) dst(%dma_wait3A_86 : memref<64x768xf32, #tpu.memory_space<hbm>>)
      tpu.yield
    }) : () -> ()
    %add3A_44 = arith.constant 320 : i32
    %add3A_45 = arith.addi %mul3A_2, %add3A_44 : i32
    "tpu.region"() ({
      %run_scoped3A = tpu.sem_alloc : memref<!tpu.dma_semaphore, #tpu.memory_space<semaphore_mem>>
      %dma_start3A_79 = tpu.memref_slice %arg3[%add3A_45] : memref<16384xi32, #tpu.memory_space<hbm>> -> memref<64xi32, #tpu.memory_space<hbm>>
      %dma_start3A_80 = tpu.memref_slice %arg3[%add3A_45] : memref<16384xi32, #tpu.memory_space<hbm>> -> memref<64xi32, #tpu.memory_space<hbm>>
      tpu.enqueue_dma source(%dma_start3A_80 : memref<64xi32, #tpu.memory_space<hbm>>) target(%arg6 : memref<64xi32, #tpu.memory_space<vmem>>) target_semaphore(%run_scoped3A : memref<!tpu.dma_semaphore, #tpu.memory_space<semaphore_mem>>)
      %dma_wait3A_81 = tpu.memref_slice %arg3[%add3A_45] : memref<16384xi32, #tpu.memory_space<hbm>> -> memref<64xi32, #tpu.memory_space<hbm>>
      %dma_wait3A_82 = tpu.memref_slice %arg3[%add3A_45] : memref<16384xi32, #tpu.memory_space<hbm>> -> memref<64xi32, #tpu.memory_space<hbm>>
      tpu.wait_dma2 semaphore(%run_scoped3A : memref<!tpu.dma_semaphore, #tpu.memory_space<semaphore_mem>>) src(%dma_wait3A_82 : memref<64xi32, #tpu.memory_space<hbm>>) dst(%arg6 : memref<64xi32, #tpu.memory_space<vmem>>)
      tpu.yield
    }) : () -> ()
    %dma_start3A_46 = arith.constant 0 : i32
    %dma_start3A_47 = arith.constant 0 : i32
    %dma_start3A_48 = tpu.memref_slice %arg2[%dma_start3A_46, %dma_start3A_47] : memref<8192x768xf32, #tpu.memory_space<hbm>> -> memref<8192x768xf32, #tpu.memory_space<hbm>>
    tpu.enqueue_indirect_dma source(%dma_start3A_48 : memref<8192x768xf32, #tpu.memory_space<hbm>>) target(%arg8 : memref<64x768xf32, #tpu.memory_space<vmem>>) offsets(%arg6 : memref<64xi32, #tpu.memory_space<vmem>>) semaphore(%arg10 : memref<!tpu.dma_semaphore, #tpu.memory_space<semaphore_mem>>)
    %dma_wait3A_49 = arith.constant 0 : i32
    %dma_wait3A_50 = arith.constant 0 : i32
    %dma_wait3A_51 = tpu.memref_slice %arg2[%dma_wait3A_49, %dma_wait3A_50] : memref<8192x768xf32, #tpu.memory_space<hbm>> -> memref<8192x768xf32, #tpu.memory_space<hbm>>
    tpu.wait_indirect_dma semaphore(%arg9 : memref<!tpu.dma_semaphore, #tpu.memory_space<semaphore_mem>>) src(%dma_wait3A_51 : memref<8192x768xf32, #tpu.memory_space<hbm>>) dst(%arg7 : memref<64x768xf32, #tpu.memory_space<vmem>>)
    %add3A_52 = arith.constant 256 : i32
    %add3A_53 = arith.addi %mul3A_2, %add3A_52 : i32
    "tpu.region"() ({
      %run_scoped3A = tpu.sem_alloc : memref<!tpu.dma_semaphore, #tpu.memory_space<semaphore_mem>>
      %dma_start3A_79 = arith.constant 0 : i32
      %dma_start3A_80 = tpu.memref_slice %arg4[%add3A_53, %dma_start3A_79] : memref<16384x768xf32, #tpu.memory_space<hbm>> -> memref<64x768xf32, #tpu.memory_space<hbm>>
      %dma_start3A_81 = arith.constant 0 : i32
      %dma_start3A_82 = tpu.memref_slice %arg4[%add3A_53, %dma_start3A_81] : memref<16384x768xf32, #tpu.memory_space<hbm>> -> memref<64x768xf32, #tpu.memory_space<hbm>>
      tpu.enqueue_dma source(%arg7 : memref<64x768xf32, #tpu.memory_space<vmem>>) target(%dma_start3A_82 : memref<64x768xf32, #tpu.memory_space<hbm>>) target_semaphore(%run_scoped3A : memref<!tpu.dma_semaphore, #tpu.memory_space<semaphore_mem>>)
      %dma_wait3A_83 = arith.constant 0 : i32
      %dma_wait3A_84 = tpu.memref_slice %arg4[%add3A_53, %dma_wait3A_83] : memref<16384x768xf32, #tpu.memory_space<hbm>> -> memref<64x768xf32, #tpu.memory_space<hbm>>
      %dma_wait3A_85 = arith.constant 0 : i32
      %dma_wait3A_86 = tpu.memref_slice %arg4[%add3A_53, %dma_wait3A_85] : memref<16384x768xf32, #tpu.memory_space<hbm>> -> memref<64x768xf32, #tpu.memory_space<hbm>>
      tpu.wait_dma2 semaphore(%run_scoped3A : memref<!tpu.dma_semaphore, #tpu.memory_space<semaphore_mem>>) src(%arg7 : memref<64x768xf32, #tpu.memory_space<vmem>>) dst(%dma_wait3A_86 : memref<64x768xf32, #tpu.memory_space<hbm>>)
      tpu.yield
    }) : () -> ()
    %add3A_54 = arith.constant 384 : i32
    %add3A_55 = arith.addi %mul3A_2, %add3A_54 : i32
    "tpu.region"() ({
      %run_scoped3A = tpu.sem_alloc : memref<!tpu.dma_semaphore, #tpu.memory_space<semaphore_mem>>
      %dma_start3A_79 = tpu.memref_slice %arg3[%add3A_55] : memref<16384xi32, #tpu.memory_space<hbm>> -> memref<64xi32, #tpu.memory_space<hbm>>
      %dma_start3A_80 = tpu.memref_slice %arg3[%add3A_55] : memref<16384xi32, #tpu.memory_space<hbm>> -> memref<64xi32, #tpu.memory_space<hbm>>
      tpu.enqueue_dma source(%dma_start3A_80 : memref<64xi32, #tpu.memory_space<hbm>>) target(%arg5 : memref<64xi32, #tpu.memory_space<vmem>>) target_semaphore(%run_scoped3A : memref<!tpu.dma_semaphore, #tpu.memory_space<semaphore_mem>>)
      %dma_wait3A_81 = tpu.memref_slice %arg3[%add3A_55] : memref<16384xi32, #tpu.memory_space<hbm>> -> memref<64xi32, #tpu.memory_space<hbm>>
      %dma_wait3A_82 = tpu.memref_slice %arg3[%add3A_55] : memref<16384xi32, #tpu.memory_space<hbm>> -> memref<64xi32, #tpu.memory_space<hbm>>
      tpu.wait_dma2 semaphore(%run_scoped3A : memref<!tpu.dma_semaphore, #tpu.memory_space<semaphore_mem>>) src(%dma_wait3A_82 : memref<64xi32, #tpu.memory_space<hbm>>) dst(%arg5 : memref<64xi32, #tpu.memory_space<vmem>>)
      tpu.yield
    }) : () -> ()
    %dma_start3A_56 = arith.constant 0 : i32
    %dma_start3A_57 = arith.constant 0 : i32
    %dma_start3A_58 = tpu.memref_slice %arg2[%dma_start3A_56, %dma_start3A_57] : memref<8192x768xf32, #tpu.memory_space<hbm>> -> memref<8192x768xf32, #tpu.memory_space<hbm>>
    tpu.enqueue_indirect_dma source(%dma_start3A_58 : memref<8192x768xf32, #tpu.memory_space<hbm>>) target(%arg7 : memref<64x768xf32, #tpu.memory_space<vmem>>) offsets(%arg5 : memref<64xi32, #tpu.memory_space<vmem>>) semaphore(%arg9 : memref<!tpu.dma_semaphore, #tpu.memory_space<semaphore_mem>>)
    %dma_wait3A_59 = arith.constant 0 : i32
    %dma_wait3A_60 = arith.constant 0 : i32
    %dma_wait3A_61 = tpu.memref_slice %arg2[%dma_wait3A_59, %dma_wait3A_60] : memref<8192x768xf32, #tpu.memory_space<hbm>> -> memref<8192x768xf32, #tpu.memory_space<hbm>>
    tpu.wait_indirect_dma semaphore(%arg10 : memref<!tpu.dma_semaphore, #tpu.memory_space<semaphore_mem>>) src(%dma_wait3A_61 : memref<8192x768xf32, #tpu.memory_space<hbm>>) dst(%arg8 : memref<64x768xf32, #tpu.memory_space<vmem>>)
    %add3A_62 = arith.constant 320 : i32
    %add3A_63 = arith.addi %mul3A_2, %add3A_62 : i32
    "tpu.region"() ({
      %run_scoped3A = tpu.sem_alloc : memref<!tpu.dma_semaphore, #tpu.memory_space<semaphore_mem>>
      %dma_start3A_79 = arith.constant 0 : i32
      %dma_start3A_80 = tpu.memref_slice %arg4[%add3A_63, %dma_start3A_79] : memref<16384x768xf32, #tpu.memory_space<hbm>> -> memref<64x768xf32, #tpu.memory_space<hbm>>
      %dma_start3A_81 = arith.constant 0 : i32
      %dma_start3A_82 = tpu.memref_slice %arg4[%add3A_63, %dma_start3A_81] : memref<16384x768xf32, #tpu.memory_space<hbm>> -> memref<64x768xf32, #tpu.memory_space<hbm>>
      tpu.enqueue_dma source(%arg8 : memref<64x768xf32, #tpu.memory_space<vmem>>) target(%dma_start3A_82 : memref<64x768xf32, #tpu.memory_space<hbm>>) target_semaphore(%run_scoped3A : memref<!tpu.dma_semaphore, #tpu.memory_space<semaphore_mem>>)
      %dma_wait3A_83 = arith.constant 0 : i32
      %dma_wait3A_84 = tpu.memref_slice %arg4[%add3A_63, %dma_wait3A_83] : memref<16384x768xf32, #tpu.memory_space<hbm>> -> memref<64x768xf32, #tpu.memory_space<hbm>>
      %dma_wait3A_85 = arith.constant 0 : i32
      %dma_wait3A_86 = tpu.memref_slice %arg4[%add3A_63, %dma_wait3A_85] : memref<16384x768xf32, #tpu.memory_space<hbm>> -> memref<64x768xf32, #tpu.memory_space<hbm>>
      tpu.wait_dma2 semaphore(%run_scoped3A : memref<!tpu.dma_semaphore, #tpu.memory_space<semaphore_mem>>) src(%arg8 : memref<64x768xf32, #tpu.memory_space<vmem>>) dst(%dma_wait3A_86 : memref<64x768xf32, #tpu.memory_space<hbm>>)
      tpu.yield
    }) : () -> ()
    %add3A_64 = arith.constant 448 : i32
    %add3A_65 = arith.addi %mul3A_2, %add3A_64 : i32
    "tpu.region"() ({
      %run_scoped3A = tpu.sem_alloc : memref<!tpu.dma_semaphore, #tpu.memory_space<semaphore_mem>>
      %dma_start3A_79 = tpu.memref_slice %arg3[%add3A_65] : memref<16384xi32, #tpu.memory_space<hbm>> -> memref<64xi32, #tpu.memory_space<hbm>>
      %dma_start3A_80 = tpu.memref_slice %arg3[%add3A_65] : memref<16384xi32, #tpu.memory_space<hbm>> -> memref<64xi32, #tpu.memory_space<hbm>>
      tpu.enqueue_dma source(%dma_start3A_80 : memref<64xi32, #tpu.memory_space<hbm>>) target(%arg6 : memref<64xi32, #tpu.memory_space<vmem>>) target_semaphore(%run_scoped3A : memref<!tpu.dma_semaphore, #tpu.memory_space<semaphore_mem>>)
      %dma_wait3A_81 = tpu.memref_slice %arg3[%add3A_65] : memref<16384xi32, #tpu.memory_space<hbm>> -> memref<64xi32, #tpu.memory_space<hbm>>
      %dma_wait3A_82 = tpu.memref_slice %arg3[%add3A_65] : memref<16384xi32, #tpu.memory_space<hbm>> -> memref<64xi32, #tpu.memory_space<hbm>>
      tpu.wait_dma2 semaphore(%run_scoped3A : memref<!tpu.dma_semaphore, #tpu.memory_space<semaphore_mem>>) src(%dma_wait3A_82 : memref<64xi32, #tpu.memory_space<hbm>>) dst(%arg6 : memref<64xi32, #tpu.memory_space<vmem>>)
      tpu.yield
    }) : () -> ()
    %dma_start3A_66 = arith.constant 0 : i32
    %dma_start3A_67 = arith.constant 0 : i32
    %dma_start3A_68 = tpu.memref_slice %arg2[%dma_start3A_66, %dma_start3A_67] : memref<8192x768xf32, #tpu.memory_space<hbm>> -> memref<8192x768xf32, #tpu.memory_space<hbm>>
    tpu.enqueue_indirect_dma source(%dma_start3A_68 : memref<8192x768xf32, #tpu.memory_space<hbm>>) target(%arg8 : memref<64x768xf32, #tpu.memory_space<vmem>>) offsets(%arg6 : memref<64xi32, #tpu.memory_space<vmem>>) semaphore(%arg10 : memref<!tpu.dma_semaphore, #tpu.memory_space<semaphore_mem>>)
    %dma_wait3A_69 = arith.constant 0 : i32
    %dma_wait3A_70 = arith.constant 0 : i32
    %dma_wait3A_71 = tpu.memref_slice %arg2[%dma_wait3A_69, %dma_wait3A_70] : memref<8192x768xf32, #tpu.memory_space<hbm>> -> memref<8192x768xf32, #tpu.memory_space<hbm>>
    tpu.wait_indirect_dma semaphore(%arg9 : memref<!tpu.dma_semaphore, #tpu.memory_space<semaphore_mem>>) src(%dma_wait3A_71 : memref<8192x768xf32, #tpu.memory_space<hbm>>) dst(%arg7 : memref<64x768xf32, #tpu.memory_space<vmem>>)
    %add3A_72 = arith.constant 384 : i32
    %add3A_73 = arith.addi %mul3A_2, %add3A_72 : i32
    "tpu.region"() ({
      %run_scoped3A = tpu.sem_alloc : memref<!tpu.dma_semaphore, #tpu.memory_space<semaphore_mem>>
      %dma_start3A_79 = arith.constant 0 : i32
      %dma_start3A_80 = tpu.memref_slice %arg4[%add3A_73, %dma_start3A_79] : memref<16384x768xf32, #tpu.memory_space<hbm>> -> memref<64x768xf32, #tpu.memory_space<hbm>>
      %dma_start3A_81 = arith.constant 0 : i32
      %dma_start3A_82 = tpu.memref_slice %arg4[%add3A_73, %dma_start3A_81] : memref<16384x768xf32, #tpu.memory_space<hbm>> -> memref<64x768xf32, #tpu.memory_space<hbm>>
      tpu.enqueue_dma source(%arg7 : memref<64x768xf32, #tpu.memory_space<vmem>>) target(%dma_start3A_82 : memref<64x768xf32, #tpu.memory_space<hbm>>) target_semaphore(%run_scoped3A : memref<!tpu.dma_semaphore, #tpu.memory_space<semaphore_mem>>)
      %dma_wait3A_83 = arith.constant 0 : i32
      %dma_wait3A_84 = tpu.memref_slice %arg4[%add3A_73, %dma_wait3A_83] : memref<16384x768xf32, #tpu.memory_space<hbm>> -> memref<64x768xf32, #tpu.memory_space<hbm>>
      %dma_wait3A_85 = arith.constant 0 : i32
      %dma_wait3A_86 = tpu.memref_slice %arg4[%add3A_73, %dma_wait3A_85] : memref<16384x768xf32, #tpu.memory_space<hbm>> -> memref<64x768xf32, #tpu.memory_space<hbm>>
      tpu.wait_dma2 semaphore(%run_scoped3A : memref<!tpu.dma_semaphore, #tpu.memory_space<semaphore_mem>>) src(%arg7 : memref<64x768xf32, #tpu.memory_space<vmem>>) dst(%dma_wait3A_86 : memref<64x768xf32, #tpu.memory_space<hbm>>)
      tpu.yield
    }) : () -> ()
    %dma_wait3A_74 = arith.constant 0 : i32
    %dma_wait3A_75 = arith.constant 0 : i32
    %dma_wait3A_76 = tpu.memref_slice %arg2[%dma_wait3A_74, %dma_wait3A_75] : memref<8192x768xf32, #tpu.memory_space<hbm>> -> memref<8192x768xf32, #tpu.memory_space<hbm>>
    tpu.wait_indirect_dma semaphore(%arg10 : memref<!tpu.dma_semaphore, #tpu.memory_space<semaphore_mem>>) src(%dma_wait3A_76 : memref<8192x768xf32, #tpu.memory_space<hbm>>) dst(%arg8 : memref<64x768xf32, #tpu.memory_space<vmem>>)
    %add3A_77 = arith.constant 448 : i32
    %add3A_78 = arith.addi %mul3A_2, %add3A_77 : i32
    "tpu.region"() ({
      %run_scoped3A = tpu.sem_alloc : memref<!tpu.dma_semaphore, #tpu.memory_space<semaphore_mem>>
      %dma_start3A_79 = arith.constant 0 : i32
      %dma_start3A_80 = tpu.memref_slice %arg4[%add3A_78, %dma_start3A_79] : memref<16384x768xf32, #tpu.memory_space<hbm>> -> memref<64x768xf32, #tpu.memory_space<hbm>>
      %dma_start3A_81 = arith.constant 0 : i32
      %dma_start3A_82 = tpu.memref_slice %arg4[%add3A_78, %dma_start3A_81] : memref<16384x768xf32, #tpu.memory_space<hbm>> -> memref<64x768xf32, #tpu.memory_space<hbm>>
      tpu.enqueue_dma source(%arg8 : memref<64x768xf32, #tpu.memory_space<vmem>>) target(%dma_start3A_82 : memref<64x768xf32, #tpu.memory_space<hbm>>) target_semaphore(%run_scoped3A : memref<!tpu.dma_semaphore, #tpu.memory_space<semaphore_mem>>)
      %dma_wait3A_83 = arith.constant 0 : i32
      %dma_wait3A_84 = tpu.memref_slice %arg4[%add3A_78, %dma_wait3A_83] : memref<16384x768xf32, #tpu.memory_space<hbm>> -> memref<64x768xf32, #tpu.memory_space<hbm>>
      %dma_wait3A_85 = arith.constant 0 : i32
      %dma_wait3A_86 = tpu.memref_slice %arg4[%add3A_78, %dma_wait3A_85] : memref<16384x768xf32, #tpu.memory_space<hbm>> -> memref<64x768xf32, #tpu.memory_space<hbm>>
      tpu.wait_dma2 semaphore(%run_scoped3A : memref<!tpu.dma_semaphore, #tpu.memory_space<semaphore_mem>>) src(%arg8 : memref<64x768xf32, #tpu.memory_space<vmem>>) dst(%dma_wait3A_86 : memref<64x768xf32, #tpu.memory_space<hbm>>)
      tpu.yield
    }) : () -> ()
    return
  }
}

module attributes {stable_mosaic.version = 14 : i64} {
  func.func @_argmin_body(%arg0: i32, %arg1: memref<256x768xf32, #tpu.memory_space<vmem>>, %arg2: memref<8192x768xf32, #tpu.memory_space<vmem>>, %arg3: memref<256x1xf32, #tpu.memory_space<vmem>>, %arg4: memref<1x8192xf32, #tpu.memory_space<vmem>>, %arg5: memref<1x1x256xi32, #tpu.memory_space<vmem>>, %arg6: memref<1x1xf32, #tpu.memory_space<smem>>, %arg7: memref<1x1xf32, #tpu.memory_space<smem>>) attributes {dimension_semantics = [#tpu.dimension_semantics<arbitrary>], iteration_bounds = array<i64: 64>, scalar_prefetch = 0 : i64, scratch_operands = 1 : i64, tpu.core_type = #tpu.core_type<tc>, window_params = [{transform_indices = @transform_0, window_bounds = array<i64: 256, 768>}, {pipeline_mode = #tpu.pipeline_mode<synchronous>, transform_indices = @transform_1, window_bounds = array<i64: 8192, 768>}, {transform_indices = @transform_2, window_bounds = array<i64: 256, 1>}, {pipeline_mode = #tpu.pipeline_mode<synchronous>, transform_indices = @transform_3, window_bounds = array<i64: 1, 8192>}, {transform_indices = @transform_4, window_bounds = array<i64: 1, 1, 256>}, {transform_indices = @transform_5, window_bounds = array<i64: 1, 1>}]} {
    %get3A = arith.constant 0 : index
    %get3A_0 = arith.constant 0 : index
    %get3A_1 = vector.load %arg1[%get3A, %get3A_0] : memref<256x768xf32, #tpu.memory_space<vmem>>, vector<256x768xf32>
    %convert_element_type3A = arith.truncf %get3A_1 : vector<256x768xf32> to vector<256x768xbf16>
    %get3A_2 = arith.constant 0 : index
    %get3A_3 = arith.constant 0 : index
    %get3A_4 = vector.load %arg3[%get3A_2, %get3A_3] : memref<256x1xf32, #tpu.memory_space<vmem>>, vector<256x1xf32>
    %broadcast_in_dim3A = arith.constant 0x7F800000 : f32
    %broadcast_in_dim3A_5 = vector.broadcast %broadcast_in_dim3A : f32 to vector<256xf32>
    %broadcast_in_dim3A_6 = arith.constant 0 : i32
    %broadcast_in_dim3A_7 = vector.broadcast %broadcast_in_dim3A_6 : i32 to vector<256xi32>
    %iota3A = tpu.iota {dimensions = array<i32: 1>} : vector<256x512xi32>
    %get3A_8 = arith.constant 0 : index
    %get3A_9 = arith.constant 0 : index
    %get3A_10 = vector.load %arg2[%get3A_8, %get3A_9] : memref<8192x768xf32, #tpu.memory_space<vmem>>, vector<512x768xf32>
    %convert_element_type3A_11 = arith.truncf %get3A_10 : vector<512x768xf32> to vector<512x768xbf16>
    %dot_general3A = arith.constant dense<0.000000e+00> : vector<256x512xf32>
    %dot_general3A_12 = tpu.matmul %convert_element_type3A, %convert_element_type3A_11, %dot_general3A {dimension_numbers = #tpu.dot_dimension_numbers<[1], [1], [0], [0], [0, 0, 1, 0], [], []>, transpose_lhs_hint = false} : vector<256x768xbf16>, vector<512x768xbf16>, vector<256x512xf32> -> vector<256x512xf32>
    %sub3A = vector.broadcast %get3A_4 : vector<256x1xf32> to vector<256x512xf32>
    %sub3A_13 = arith.subf %sub3A, %dot_general3A_12 : vector<256x512xf32>
    %get3A_14 = arith.constant 0 : index
    %get3A_15 = arith.constant 0 : index
    %get3A_16 = vector.load %arg4[%get3A_14, %get3A_15] : memref<1x8192xf32, #tpu.memory_space<vmem>>, vector<1x512xf32>
    %add3A = vector.broadcast %get3A_16 : vector<1x512xf32> to vector<256x512xf32>
    %add3A_17 = arith.addf %sub3A_13, %add3A : vector<256x512xf32>
    %reduce_min3A = arith.constant dense<0x7F800000> : vector<256xf32>
    %reduce_min3A_18 = vector.multi_reduction <minimumf>, %add3A_17, %reduce_min3A [1] : vector<256x512xf32> to vector<256xf32>
    %broadcast_in_dim3A_19 = vector.shape_cast %reduce_min3A_18 : vector<256xf32> to vector<256x1xf32>
    %eq3A = vector.broadcast %broadcast_in_dim3A_19 : vector<256x1xf32> to vector<256x512xf32>
    %eq3A_20 = arith.cmpf oeq, %add3A_17, %eq3A : vector<256x512xf32>
    %jit3A = arith.constant 8192 : i32
    %broadcast_in_dim3A_21 = vector.broadcast %jit3A : i32 to vector<256x512xi32>
    %select_n3A = arith.select %eq3A_20, %iota3A, %broadcast_in_dim3A_21 : vector<256x512xi1>, vector<256x512xi32>
    %reduce_min3A_22 = arith.constant dense<2147483647> : vector<256xi32>
    %reduce_min3A_23 = vector.multi_reduction <minsi>, %select_n3A, %reduce_min3A_22 [1] : vector<256x512xi32> to vector<256xi32>
    %lt3A = arith.cmpf olt, %reduce_min3A_18, %broadcast_in_dim3A_5 : vector<256xf32>
    %select_n3A_24 = arith.select %lt3A, %reduce_min3A_18, %broadcast_in_dim3A_5 : vector<256xi1>, vector<256xf32>
    %add3A_25 = arith.constant 0 : i32
    %add3A_26 = vector.broadcast %add3A_25 : i32 to vector<256xi32>
    %add3A_27 = arith.addi %reduce_min3A_23, %add3A_26 : vector<256xi32>
    %select_n3A_28 = arith.select %lt3A, %add3A_27, %broadcast_in_dim3A_7 : vector<256xi1>, vector<256xi32>
    %get3A_29 = arith.constant 512 : index
    %get3A_30 = arith.constant 0 : index
    %get3A_31 = vector.load %arg2[%get3A_29, %get3A_30] : memref<8192x768xf32, #tpu.memory_space<vmem>>, vector<512x768xf32>
    %convert_element_type3A_32 = arith.truncf %get3A_31 : vector<512x768xf32> to vector<512x768xbf16>
    %dot_general3A_33 = arith.constant dense<0.000000e+00> : vector<256x512xf32>
    %dot_general3A_34 = tpu.matmul %convert_element_type3A, %convert_element_type3A_32, %dot_general3A_33 {dimension_numbers = #tpu.dot_dimension_numbers<[1], [1], [0], [0], [0, 0, 1, 0], [], []>, transpose_lhs_hint = false} : vector<256x768xbf16>, vector<512x768xbf16>, vector<256x512xf32> -> vector<256x512xf32>
    %sub3A_35 = vector.broadcast %get3A_4 : vector<256x1xf32> to vector<256x512xf32>
    %sub3A_36 = arith.subf %sub3A_35, %dot_general3A_34 : vector<256x512xf32>
    %get3A_37 = arith.constant 0 : index
    %get3A_38 = arith.constant 512 : index
    %get3A_39 = vector.load %arg4[%get3A_37, %get3A_38] : memref<1x8192xf32, #tpu.memory_space<vmem>>, vector<1x512xf32>
    %add3A_40 = vector.broadcast %get3A_39 : vector<1x512xf32> to vector<256x512xf32>
    %add3A_41 = arith.addf %sub3A_36, %add3A_40 : vector<256x512xf32>
    %reduce_min3A_42 = arith.constant dense<0x7F800000> : vector<256xf32>
    %reduce_min3A_43 = vector.multi_reduction <minimumf>, %add3A_41, %reduce_min3A_42 [1] : vector<256x512xf32> to vector<256xf32>
    %broadcast_in_dim3A_44 = vector.shape_cast %reduce_min3A_43 : vector<256xf32> to vector<256x1xf32>
    %eq3A_45 = vector.broadcast %broadcast_in_dim3A_44 : vector<256x1xf32> to vector<256x512xf32>
    %eq3A_46 = arith.cmpf oeq, %add3A_41, %eq3A_45 : vector<256x512xf32>
    %jit3A_47 = arith.constant 8192 : i32
    %broadcast_in_dim3A_48 = vector.broadcast %jit3A_47 : i32 to vector<256x512xi32>
    %select_n3A_49 = arith.select %eq3A_46, %iota3A, %broadcast_in_dim3A_48 : vector<256x512xi1>, vector<256x512xi32>
    %reduce_min3A_50 = arith.constant dense<2147483647> : vector<256xi32>
    %reduce_min3A_51 = vector.multi_reduction <minsi>, %select_n3A_49, %reduce_min3A_50 [1] : vector<256x512xi32> to vector<256xi32>
    %lt3A_52 = arith.cmpf olt, %reduce_min3A_43, %select_n3A_24 : vector<256xf32>
    %select_n3A_53 = arith.select %lt3A_52, %reduce_min3A_43, %select_n3A_24 : vector<256xi1>, vector<256xf32>
    %add3A_54 = arith.constant 512 : i32
    %add3A_55 = vector.broadcast %add3A_54 : i32 to vector<256xi32>
    %add3A_56 = arith.addi %reduce_min3A_51, %add3A_55 : vector<256xi32>
    %select_n3A_57 = arith.select %lt3A_52, %add3A_56, %select_n3A_28 : vector<256xi1>, vector<256xi32>
    %get3A_58 = arith.constant 1024 : index
    %get3A_59 = arith.constant 0 : index
    %get3A_60 = vector.load %arg2[%get3A_58, %get3A_59] : memref<8192x768xf32, #tpu.memory_space<vmem>>, vector<512x768xf32>
    %convert_element_type3A_61 = arith.truncf %get3A_60 : vector<512x768xf32> to vector<512x768xbf16>
    %dot_general3A_62 = arith.constant dense<0.000000e+00> : vector<256x512xf32>
    %dot_general3A_63 = tpu.matmul %convert_element_type3A, %convert_element_type3A_61, %dot_general3A_62 {dimension_numbers = #tpu.dot_dimension_numbers<[1], [1], [0], [0], [0, 0, 1, 0], [], []>, transpose_lhs_hint = false} : vector<256x768xbf16>, vector<512x768xbf16>, vector<256x512xf32> -> vector<256x512xf32>
    %sub3A_64 = vector.broadcast %get3A_4 : vector<256x1xf32> to vector<256x512xf32>
    %sub3A_65 = arith.subf %sub3A_64, %dot_general3A_63 : vector<256x512xf32>
    %get3A_66 = arith.constant 0 : index
    %get3A_67 = arith.constant 1024 : index
    %get3A_68 = vector.load %arg4[%get3A_66, %get3A_67] : memref<1x8192xf32, #tpu.memory_space<vmem>>, vector<1x512xf32>
    %add3A_69 = vector.broadcast %get3A_68 : vector<1x512xf32> to vector<256x512xf32>
    %add3A_70 = arith.addf %sub3A_65, %add3A_69 : vector<256x512xf32>
    %reduce_min3A_71 = arith.constant dense<0x7F800000> : vector<256xf32>
    %reduce_min3A_72 = vector.multi_reduction <minimumf>, %add3A_70, %reduce_min3A_71 [1] : vector<256x512xf32> to vector<256xf32>
    %broadcast_in_dim3A_73 = vector.shape_cast %reduce_min3A_72 : vector<256xf32> to vector<256x1xf32>
    %eq3A_74 = vector.broadcast %broadcast_in_dim3A_73 : vector<256x1xf32> to vector<256x512xf32>
    %eq3A_75 = arith.cmpf oeq, %add3A_70, %eq3A_74 : vector<256x512xf32>
    %jit3A_76 = arith.constant 8192 : i32
    %broadcast_in_dim3A_77 = vector.broadcast %jit3A_76 : i32 to vector<256x512xi32>
    %select_n3A_78 = arith.select %eq3A_75, %iota3A, %broadcast_in_dim3A_77 : vector<256x512xi1>, vector<256x512xi32>
    %reduce_min3A_79 = arith.constant dense<2147483647> : vector<256xi32>
    %reduce_min3A_80 = vector.multi_reduction <minsi>, %select_n3A_78, %reduce_min3A_79 [1] : vector<256x512xi32> to vector<256xi32>
    %lt3A_81 = arith.cmpf olt, %reduce_min3A_72, %select_n3A_53 : vector<256xf32>
    %select_n3A_82 = arith.select %lt3A_81, %reduce_min3A_72, %select_n3A_53 : vector<256xi1>, vector<256xf32>
    %add3A_83 = arith.constant 1024 : i32
    %add3A_84 = vector.broadcast %add3A_83 : i32 to vector<256xi32>
    %add3A_85 = arith.addi %reduce_min3A_80, %add3A_84 : vector<256xi32>
    %select_n3A_86 = arith.select %lt3A_81, %add3A_85, %select_n3A_57 : vector<256xi1>, vector<256xi32>
    %get3A_87 = arith.constant 1536 : index
    %get3A_88 = arith.constant 0 : index
    %get3A_89 = vector.load %arg2[%get3A_87, %get3A_88] : memref<8192x768xf32, #tpu.memory_space<vmem>>, vector<512x768xf32>
    %convert_element_type3A_90 = arith.truncf %get3A_89 : vector<512x768xf32> to vector<512x768xbf16>
    %dot_general3A_91 = arith.constant dense<0.000000e+00> : vector<256x512xf32>
    %dot_general3A_92 = tpu.matmul %convert_element_type3A, %convert_element_type3A_90, %dot_general3A_91 {dimension_numbers = #tpu.dot_dimension_numbers<[1], [1], [0], [0], [0, 0, 1, 0], [], []>, transpose_lhs_hint = false} : vector<256x768xbf16>, vector<512x768xbf16>, vector<256x512xf32> -> vector<256x512xf32>
    %sub3A_93 = vector.broadcast %get3A_4 : vector<256x1xf32> to vector<256x512xf32>
    %sub3A_94 = arith.subf %sub3A_93, %dot_general3A_92 : vector<256x512xf32>
    %get3A_95 = arith.constant 0 : index
    %get3A_96 = arith.constant 1536 : index
    %get3A_97 = vector.load %arg4[%get3A_95, %get3A_96] : memref<1x8192xf32, #tpu.memory_space<vmem>>, vector<1x512xf32>
    %add3A_98 = vector.broadcast %get3A_97 : vector<1x512xf32> to vector<256x512xf32>
    %add3A_99 = arith.addf %sub3A_94, %add3A_98 : vector<256x512xf32>
    %reduce_min3A_100 = arith.constant dense<0x7F800000> : vector<256xf32>
    %reduce_min3A_101 = vector.multi_reduction <minimumf>, %add3A_99, %reduce_min3A_100 [1] : vector<256x512xf32> to vector<256xf32>
    %broadcast_in_dim3A_102 = vector.shape_cast %reduce_min3A_101 : vector<256xf32> to vector<256x1xf32>
    %eq3A_103 = vector.broadcast %broadcast_in_dim3A_102 : vector<256x1xf32> to vector<256x512xf32>
    %eq3A_104 = arith.cmpf oeq, %add3A_99, %eq3A_103 : vector<256x512xf32>
    %jit3A_105 = arith.constant 8192 : i32
    %broadcast_in_dim3A_106 = vector.broadcast %jit3A_105 : i32 to vector<256x512xi32>
    %select_n3A_107 = arith.select %eq3A_104, %iota3A, %broadcast_in_dim3A_106 : vector<256x512xi1>, vector<256x512xi32>
    %reduce_min3A_108 = arith.constant dense<2147483647> : vector<256xi32>
    %reduce_min3A_109 = vector.multi_reduction <minsi>, %select_n3A_107, %reduce_min3A_108 [1] : vector<256x512xi32> to vector<256xi32>
    %lt3A_110 = arith.cmpf olt, %reduce_min3A_101, %select_n3A_82 : vector<256xf32>
    %select_n3A_111 = arith.select %lt3A_110, %reduce_min3A_101, %select_n3A_82 : vector<256xi1>, vector<256xf32>
    %add3A_112 = arith.constant 1536 : i32
    %add3A_113 = vector.broadcast %add3A_112 : i32 to vector<256xi32>
    %add3A_114 = arith.addi %reduce_min3A_109, %add3A_113 : vector<256xi32>
    %select_n3A_115 = arith.select %lt3A_110, %add3A_114, %select_n3A_86 : vector<256xi1>, vector<256xi32>
    %get3A_116 = arith.constant 2048 : index
    %get3A_117 = arith.constant 0 : index
    %get3A_118 = vector.load %arg2[%get3A_116, %get3A_117] : memref<8192x768xf32, #tpu.memory_space<vmem>>, vector<512x768xf32>
    %convert_element_type3A_119 = arith.truncf %get3A_118 : vector<512x768xf32> to vector<512x768xbf16>
    %dot_general3A_120 = arith.constant dense<0.000000e+00> : vector<256x512xf32>
    %dot_general3A_121 = tpu.matmul %convert_element_type3A, %convert_element_type3A_119, %dot_general3A_120 {dimension_numbers = #tpu.dot_dimension_numbers<[1], [1], [0], [0], [0, 0, 1, 0], [], []>, transpose_lhs_hint = false} : vector<256x768xbf16>, vector<512x768xbf16>, vector<256x512xf32> -> vector<256x512xf32>
    %sub3A_122 = vector.broadcast %get3A_4 : vector<256x1xf32> to vector<256x512xf32>
    %sub3A_123 = arith.subf %sub3A_122, %dot_general3A_121 : vector<256x512xf32>
    %get3A_124 = arith.constant 0 : index
    %get3A_125 = arith.constant 2048 : index
    %get3A_126 = vector.load %arg4[%get3A_124, %get3A_125] : memref<1x8192xf32, #tpu.memory_space<vmem>>, vector<1x512xf32>
    %add3A_127 = vector.broadcast %get3A_126 : vector<1x512xf32> to vector<256x512xf32>
    %add3A_128 = arith.addf %sub3A_123, %add3A_127 : vector<256x512xf32>
    %reduce_min3A_129 = arith.constant dense<0x7F800000> : vector<256xf32>
    %reduce_min3A_130 = vector.multi_reduction <minimumf>, %add3A_128, %reduce_min3A_129 [1] : vector<256x512xf32> to vector<256xf32>
    %broadcast_in_dim3A_131 = vector.shape_cast %reduce_min3A_130 : vector<256xf32> to vector<256x1xf32>
    %eq3A_132 = vector.broadcast %broadcast_in_dim3A_131 : vector<256x1xf32> to vector<256x512xf32>
    %eq3A_133 = arith.cmpf oeq, %add3A_128, %eq3A_132 : vector<256x512xf32>
    %jit3A_134 = arith.constant 8192 : i32
    %broadcast_in_dim3A_135 = vector.broadcast %jit3A_134 : i32 to vector<256x512xi32>
    %select_n3A_136 = arith.select %eq3A_133, %iota3A, %broadcast_in_dim3A_135 : vector<256x512xi1>, vector<256x512xi32>
    %reduce_min3A_137 = arith.constant dense<2147483647> : vector<256xi32>
    %reduce_min3A_138 = vector.multi_reduction <minsi>, %select_n3A_136, %reduce_min3A_137 [1] : vector<256x512xi32> to vector<256xi32>
    %lt3A_139 = arith.cmpf olt, %reduce_min3A_130, %select_n3A_111 : vector<256xf32>
    %select_n3A_140 = arith.select %lt3A_139, %reduce_min3A_130, %select_n3A_111 : vector<256xi1>, vector<256xf32>
    %add3A_141 = arith.constant 2048 : i32
    %add3A_142 = vector.broadcast %add3A_141 : i32 to vector<256xi32>
    %add3A_143 = arith.addi %reduce_min3A_138, %add3A_142 : vector<256xi32>
    %select_n3A_144 = arith.select %lt3A_139, %add3A_143, %select_n3A_115 : vector<256xi1>, vector<256xi32>
    %get3A_145 = arith.constant 2560 : index
    %get3A_146 = arith.constant 0 : index
    %get3A_147 = vector.load %arg2[%get3A_145, %get3A_146] : memref<8192x768xf32, #tpu.memory_space<vmem>>, vector<512x768xf32>
    %convert_element_type3A_148 = arith.truncf %get3A_147 : vector<512x768xf32> to vector<512x768xbf16>
    %dot_general3A_149 = arith.constant dense<0.000000e+00> : vector<256x512xf32>
    %dot_general3A_150 = tpu.matmul %convert_element_type3A, %convert_element_type3A_148, %dot_general3A_149 {dimension_numbers = #tpu.dot_dimension_numbers<[1], [1], [0], [0], [0, 0, 1, 0], [], []>, transpose_lhs_hint = false} : vector<256x768xbf16>, vector<512x768xbf16>, vector<256x512xf32> -> vector<256x512xf32>
    %sub3A_151 = vector.broadcast %get3A_4 : vector<256x1xf32> to vector<256x512xf32>
    %sub3A_152 = arith.subf %sub3A_151, %dot_general3A_150 : vector<256x512xf32>
    %get3A_153 = arith.constant 0 : index
    %get3A_154 = arith.constant 2560 : index
    %get3A_155 = vector.load %arg4[%get3A_153, %get3A_154] : memref<1x8192xf32, #tpu.memory_space<vmem>>, vector<1x512xf32>
    %add3A_156 = vector.broadcast %get3A_155 : vector<1x512xf32> to vector<256x512xf32>
    %add3A_157 = arith.addf %sub3A_152, %add3A_156 : vector<256x512xf32>
    %reduce_min3A_158 = arith.constant dense<0x7F800000> : vector<256xf32>
    %reduce_min3A_159 = vector.multi_reduction <minimumf>, %add3A_157, %reduce_min3A_158 [1] : vector<256x512xf32> to vector<256xf32>
    %broadcast_in_dim3A_160 = vector.shape_cast %reduce_min3A_159 : vector<256xf32> to vector<256x1xf32>
    %eq3A_161 = vector.broadcast %broadcast_in_dim3A_160 : vector<256x1xf32> to vector<256x512xf32>
    %eq3A_162 = arith.cmpf oeq, %add3A_157, %eq3A_161 : vector<256x512xf32>
    %jit3A_163 = arith.constant 8192 : i32
    %broadcast_in_dim3A_164 = vector.broadcast %jit3A_163 : i32 to vector<256x512xi32>
    %select_n3A_165 = arith.select %eq3A_162, %iota3A, %broadcast_in_dim3A_164 : vector<256x512xi1>, vector<256x512xi32>
    %reduce_min3A_166 = arith.constant dense<2147483647> : vector<256xi32>
    %reduce_min3A_167 = vector.multi_reduction <minsi>, %select_n3A_165, %reduce_min3A_166 [1] : vector<256x512xi32> to vector<256xi32>
    %lt3A_168 = arith.cmpf olt, %reduce_min3A_159, %select_n3A_140 : vector<256xf32>
    %select_n3A_169 = arith.select %lt3A_168, %reduce_min3A_159, %select_n3A_140 : vector<256xi1>, vector<256xf32>
    %add3A_170 = arith.constant 2560 : i32
    %add3A_171 = vector.broadcast %add3A_170 : i32 to vector<256xi32>
    %add3A_172 = arith.addi %reduce_min3A_167, %add3A_171 : vector<256xi32>
    %select_n3A_173 = arith.select %lt3A_168, %add3A_172, %select_n3A_144 : vector<256xi1>, vector<256xi32>
    %get3A_174 = arith.constant 3072 : index
    %get3A_175 = arith.constant 0 : index
    %get3A_176 = vector.load %arg2[%get3A_174, %get3A_175] : memref<8192x768xf32, #tpu.memory_space<vmem>>, vector<512x768xf32>
    %convert_element_type3A_177 = arith.truncf %get3A_176 : vector<512x768xf32> to vector<512x768xbf16>
    %dot_general3A_178 = arith.constant dense<0.000000e+00> : vector<256x512xf32>
    %dot_general3A_179 = tpu.matmul %convert_element_type3A, %convert_element_type3A_177, %dot_general3A_178 {dimension_numbers = #tpu.dot_dimension_numbers<[1], [1], [0], [0], [0, 0, 1, 0], [], []>, transpose_lhs_hint = false} : vector<256x768xbf16>, vector<512x768xbf16>, vector<256x512xf32> -> vector<256x512xf32>
    %sub3A_180 = vector.broadcast %get3A_4 : vector<256x1xf32> to vector<256x512xf32>
    %sub3A_181 = arith.subf %sub3A_180, %dot_general3A_179 : vector<256x512xf32>
    %get3A_182 = arith.constant 0 : index
    %get3A_183 = arith.constant 3072 : index
    %get3A_184 = vector.load %arg4[%get3A_182, %get3A_183] : memref<1x8192xf32, #tpu.memory_space<vmem>>, vector<1x512xf32>
    %add3A_185 = vector.broadcast %get3A_184 : vector<1x512xf32> to vector<256x512xf32>
    %add3A_186 = arith.addf %sub3A_181, %add3A_185 : vector<256x512xf32>
    %reduce_min3A_187 = arith.constant dense<0x7F800000> : vector<256xf32>
    %reduce_min3A_188 = vector.multi_reduction <minimumf>, %add3A_186, %reduce_min3A_187 [1] : vector<256x512xf32> to vector<256xf32>
    %broadcast_in_dim3A_189 = vector.shape_cast %reduce_min3A_188 : vector<256xf32> to vector<256x1xf32>
    %eq3A_190 = vector.broadcast %broadcast_in_dim3A_189 : vector<256x1xf32> to vector<256x512xf32>
    %eq3A_191 = arith.cmpf oeq, %add3A_186, %eq3A_190 : vector<256x512xf32>
    %jit3A_192 = arith.constant 8192 : i32
    %broadcast_in_dim3A_193 = vector.broadcast %jit3A_192 : i32 to vector<256x512xi32>
    %select_n3A_194 = arith.select %eq3A_191, %iota3A, %broadcast_in_dim3A_193 : vector<256x512xi1>, vector<256x512xi32>
    %reduce_min3A_195 = arith.constant dense<2147483647> : vector<256xi32>
    %reduce_min3A_196 = vector.multi_reduction <minsi>, %select_n3A_194, %reduce_min3A_195 [1] : vector<256x512xi32> to vector<256xi32>
    %lt3A_197 = arith.cmpf olt, %reduce_min3A_188, %select_n3A_169 : vector<256xf32>
    %select_n3A_198 = arith.select %lt3A_197, %reduce_min3A_188, %select_n3A_169 : vector<256xi1>, vector<256xf32>
    %add3A_199 = arith.constant 3072 : i32
    %add3A_200 = vector.broadcast %add3A_199 : i32 to vector<256xi32>
    %add3A_201 = arith.addi %reduce_min3A_196, %add3A_200 : vector<256xi32>
    %select_n3A_202 = arith.select %lt3A_197, %add3A_201, %select_n3A_173 : vector<256xi1>, vector<256xi32>
    %get3A_203 = arith.constant 3584 : index
    %get3A_204 = arith.constant 0 : index
    %get3A_205 = vector.load %arg2[%get3A_203, %get3A_204] : memref<8192x768xf32, #tpu.memory_space<vmem>>, vector<512x768xf32>
    %convert_element_type3A_206 = arith.truncf %get3A_205 : vector<512x768xf32> to vector<512x768xbf16>
    %dot_general3A_207 = arith.constant dense<0.000000e+00> : vector<256x512xf32>
    %dot_general3A_208 = tpu.matmul %convert_element_type3A, %convert_element_type3A_206, %dot_general3A_207 {dimension_numbers = #tpu.dot_dimension_numbers<[1], [1], [0], [0], [0, 0, 1, 0], [], []>, transpose_lhs_hint = false} : vector<256x768xbf16>, vector<512x768xbf16>, vector<256x512xf32> -> vector<256x512xf32>
    %sub3A_209 = vector.broadcast %get3A_4 : vector<256x1xf32> to vector<256x512xf32>
    %sub3A_210 = arith.subf %sub3A_209, %dot_general3A_208 : vector<256x512xf32>
    %get3A_211 = arith.constant 0 : index
    %get3A_212 = arith.constant 3584 : index
    %get3A_213 = vector.load %arg4[%get3A_211, %get3A_212] : memref<1x8192xf32, #tpu.memory_space<vmem>>, vector<1x512xf32>
    %add3A_214 = vector.broadcast %get3A_213 : vector<1x512xf32> to vector<256x512xf32>
    %add3A_215 = arith.addf %sub3A_210, %add3A_214 : vector<256x512xf32>
    %reduce_min3A_216 = arith.constant dense<0x7F800000> : vector<256xf32>
    %reduce_min3A_217 = vector.multi_reduction <minimumf>, %add3A_215, %reduce_min3A_216 [1] : vector<256x512xf32> to vector<256xf32>
    %broadcast_in_dim3A_218 = vector.shape_cast %reduce_min3A_217 : vector<256xf32> to vector<256x1xf32>
    %eq3A_219 = vector.broadcast %broadcast_in_dim3A_218 : vector<256x1xf32> to vector<256x512xf32>
    %eq3A_220 = arith.cmpf oeq, %add3A_215, %eq3A_219 : vector<256x512xf32>
    %jit3A_221 = arith.constant 8192 : i32
    %broadcast_in_dim3A_222 = vector.broadcast %jit3A_221 : i32 to vector<256x512xi32>
    %select_n3A_223 = arith.select %eq3A_220, %iota3A, %broadcast_in_dim3A_222 : vector<256x512xi1>, vector<256x512xi32>
    %reduce_min3A_224 = arith.constant dense<2147483647> : vector<256xi32>
    %reduce_min3A_225 = vector.multi_reduction <minsi>, %select_n3A_223, %reduce_min3A_224 [1] : vector<256x512xi32> to vector<256xi32>
    %lt3A_226 = arith.cmpf olt, %reduce_min3A_217, %select_n3A_198 : vector<256xf32>
    %select_n3A_227 = arith.select %lt3A_226, %reduce_min3A_217, %select_n3A_198 : vector<256xi1>, vector<256xf32>
    %add3A_228 = arith.constant 3584 : i32
    %add3A_229 = vector.broadcast %add3A_228 : i32 to vector<256xi32>
    %add3A_230 = arith.addi %reduce_min3A_225, %add3A_229 : vector<256xi32>
    %select_n3A_231 = arith.select %lt3A_226, %add3A_230, %select_n3A_202 : vector<256xi1>, vector<256xi32>
    %get3A_232 = arith.constant 4096 : index
    %get3A_233 = arith.constant 0 : index
    %get3A_234 = vector.load %arg2[%get3A_232, %get3A_233] : memref<8192x768xf32, #tpu.memory_space<vmem>>, vector<512x768xf32>
    %convert_element_type3A_235 = arith.truncf %get3A_234 : vector<512x768xf32> to vector<512x768xbf16>
    %dot_general3A_236 = arith.constant dense<0.000000e+00> : vector<256x512xf32>
    %dot_general3A_237 = tpu.matmul %convert_element_type3A, %convert_element_type3A_235, %dot_general3A_236 {dimension_numbers = #tpu.dot_dimension_numbers<[1], [1], [0], [0], [0, 0, 1, 0], [], []>, transpose_lhs_hint = false} : vector<256x768xbf16>, vector<512x768xbf16>, vector<256x512xf32> -> vector<256x512xf32>
    %sub3A_238 = vector.broadcast %get3A_4 : vector<256x1xf32> to vector<256x512xf32>
    %sub3A_239 = arith.subf %sub3A_238, %dot_general3A_237 : vector<256x512xf32>
    %get3A_240 = arith.constant 0 : index
    %get3A_241 = arith.constant 4096 : index
    %get3A_242 = vector.load %arg4[%get3A_240, %get3A_241] : memref<1x8192xf32, #tpu.memory_space<vmem>>, vector<1x512xf32>
    %add3A_243 = vector.broadcast %get3A_242 : vector<1x512xf32> to vector<256x512xf32>
    %add3A_244 = arith.addf %sub3A_239, %add3A_243 : vector<256x512xf32>
    %reduce_min3A_245 = arith.constant dense<0x7F800000> : vector<256xf32>
    %reduce_min3A_246 = vector.multi_reduction <minimumf>, %add3A_244, %reduce_min3A_245 [1] : vector<256x512xf32> to vector<256xf32>
    %broadcast_in_dim3A_247 = vector.shape_cast %reduce_min3A_246 : vector<256xf32> to vector<256x1xf32>
    %eq3A_248 = vector.broadcast %broadcast_in_dim3A_247 : vector<256x1xf32> to vector<256x512xf32>
    %eq3A_249 = arith.cmpf oeq, %add3A_244, %eq3A_248 : vector<256x512xf32>
    %jit3A_250 = arith.constant 8192 : i32
    %broadcast_in_dim3A_251 = vector.broadcast %jit3A_250 : i32 to vector<256x512xi32>
    %select_n3A_252 = arith.select %eq3A_249, %iota3A, %broadcast_in_dim3A_251 : vector<256x512xi1>, vector<256x512xi32>
    %reduce_min3A_253 = arith.constant dense<2147483647> : vector<256xi32>
    %reduce_min3A_254 = vector.multi_reduction <minsi>, %select_n3A_252, %reduce_min3A_253 [1] : vector<256x512xi32> to vector<256xi32>
    %lt3A_255 = arith.cmpf olt, %reduce_min3A_246, %select_n3A_227 : vector<256xf32>
    %select_n3A_256 = arith.select %lt3A_255, %reduce_min3A_246, %select_n3A_227 : vector<256xi1>, vector<256xf32>
    %add3A_257 = arith.constant 4096 : i32
    %add3A_258 = vector.broadcast %add3A_257 : i32 to vector<256xi32>
    %add3A_259 = arith.addi %reduce_min3A_254, %add3A_258 : vector<256xi32>
    %select_n3A_260 = arith.select %lt3A_255, %add3A_259, %select_n3A_231 : vector<256xi1>, vector<256xi32>
    %get3A_261 = arith.constant 4608 : index
    %get3A_262 = arith.constant 0 : index
    %get3A_263 = vector.load %arg2[%get3A_261, %get3A_262] : memref<8192x768xf32, #tpu.memory_space<vmem>>, vector<512x768xf32>
    %convert_element_type3A_264 = arith.truncf %get3A_263 : vector<512x768xf32> to vector<512x768xbf16>
    %dot_general3A_265 = arith.constant dense<0.000000e+00> : vector<256x512xf32>
    %dot_general3A_266 = tpu.matmul %convert_element_type3A, %convert_element_type3A_264, %dot_general3A_265 {dimension_numbers = #tpu.dot_dimension_numbers<[1], [1], [0], [0], [0, 0, 1, 0], [], []>, transpose_lhs_hint = false} : vector<256x768xbf16>, vector<512x768xbf16>, vector<256x512xf32> -> vector<256x512xf32>
    %sub3A_267 = vector.broadcast %get3A_4 : vector<256x1xf32> to vector<256x512xf32>
    %sub3A_268 = arith.subf %sub3A_267, %dot_general3A_266 : vector<256x512xf32>
    %get3A_269 = arith.constant 0 : index
    %get3A_270 = arith.constant 4608 : index
    %get3A_271 = vector.load %arg4[%get3A_269, %get3A_270] : memref<1x8192xf32, #tpu.memory_space<vmem>>, vector<1x512xf32>
    %add3A_272 = vector.broadcast %get3A_271 : vector<1x512xf32> to vector<256x512xf32>
    %add3A_273 = arith.addf %sub3A_268, %add3A_272 : vector<256x512xf32>
    %reduce_min3A_274 = arith.constant dense<0x7F800000> : vector<256xf32>
    %reduce_min3A_275 = vector.multi_reduction <minimumf>, %add3A_273, %reduce_min3A_274 [1] : vector<256x512xf32> to vector<256xf32>
    %broadcast_in_dim3A_276 = vector.shape_cast %reduce_min3A_275 : vector<256xf32> to vector<256x1xf32>
    %eq3A_277 = vector.broadcast %broadcast_in_dim3A_276 : vector<256x1xf32> to vector<256x512xf32>
    %eq3A_278 = arith.cmpf oeq, %add3A_273, %eq3A_277 : vector<256x512xf32>
    %jit3A_279 = arith.constant 8192 : i32
    %broadcast_in_dim3A_280 = vector.broadcast %jit3A_279 : i32 to vector<256x512xi32>
    %select_n3A_281 = arith.select %eq3A_278, %iota3A, %broadcast_in_dim3A_280 : vector<256x512xi1>, vector<256x512xi32>
    %reduce_min3A_282 = arith.constant dense<2147483647> : vector<256xi32>
    %reduce_min3A_283 = vector.multi_reduction <minsi>, %select_n3A_281, %reduce_min3A_282 [1] : vector<256x512xi32> to vector<256xi32>
    %lt3A_284 = arith.cmpf olt, %reduce_min3A_275, %select_n3A_256 : vector<256xf32>
    %select_n3A_285 = arith.select %lt3A_284, %reduce_min3A_275, %select_n3A_256 : vector<256xi1>, vector<256xf32>
    %add3A_286 = arith.constant 4608 : i32
    %add3A_287 = vector.broadcast %add3A_286 : i32 to vector<256xi32>
    %add3A_288 = arith.addi %reduce_min3A_283, %add3A_287 : vector<256xi32>
    %select_n3A_289 = arith.select %lt3A_284, %add3A_288, %select_n3A_260 : vector<256xi1>, vector<256xi32>
    %get3A_290 = arith.constant 5120 : index
    %get3A_291 = arith.constant 0 : index
    %get3A_292 = vector.load %arg2[%get3A_290, %get3A_291] : memref<8192x768xf32, #tpu.memory_space<vmem>>, vector<512x768xf32>
    %convert_element_type3A_293 = arith.truncf %get3A_292 : vector<512x768xf32> to vector<512x768xbf16>
    %dot_general3A_294 = arith.constant dense<0.000000e+00> : vector<256x512xf32>
    %dot_general3A_295 = tpu.matmul %convert_element_type3A, %convert_element_type3A_293, %dot_general3A_294 {dimension_numbers = #tpu.dot_dimension_numbers<[1], [1], [0], [0], [0, 0, 1, 0], [], []>, transpose_lhs_hint = false} : vector<256x768xbf16>, vector<512x768xbf16>, vector<256x512xf32> -> vector<256x512xf32>
    %sub3A_296 = vector.broadcast %get3A_4 : vector<256x1xf32> to vector<256x512xf32>
    %sub3A_297 = arith.subf %sub3A_296, %dot_general3A_295 : vector<256x512xf32>
    %get3A_298 = arith.constant 0 : index
    %get3A_299 = arith.constant 5120 : index
    %get3A_300 = vector.load %arg4[%get3A_298, %get3A_299] : memref<1x8192xf32, #tpu.memory_space<vmem>>, vector<1x512xf32>
    %add3A_301 = vector.broadcast %get3A_300 : vector<1x512xf32> to vector<256x512xf32>
    %add3A_302 = arith.addf %sub3A_297, %add3A_301 : vector<256x512xf32>
    %reduce_min3A_303 = arith.constant dense<0x7F800000> : vector<256xf32>
    %reduce_min3A_304 = vector.multi_reduction <minimumf>, %add3A_302, %reduce_min3A_303 [1] : vector<256x512xf32> to vector<256xf32>
    %broadcast_in_dim3A_305 = vector.shape_cast %reduce_min3A_304 : vector<256xf32> to vector<256x1xf32>
    %eq3A_306 = vector.broadcast %broadcast_in_dim3A_305 : vector<256x1xf32> to vector<256x512xf32>
    %eq3A_307 = arith.cmpf oeq, %add3A_302, %eq3A_306 : vector<256x512xf32>
    %jit3A_308 = arith.constant 8192 : i32
    %broadcast_in_dim3A_309 = vector.broadcast %jit3A_308 : i32 to vector<256x512xi32>
    %select_n3A_310 = arith.select %eq3A_307, %iota3A, %broadcast_in_dim3A_309 : vector<256x512xi1>, vector<256x512xi32>
    %reduce_min3A_311 = arith.constant dense<2147483647> : vector<256xi32>
    %reduce_min3A_312 = vector.multi_reduction <minsi>, %select_n3A_310, %reduce_min3A_311 [1] : vector<256x512xi32> to vector<256xi32>
    %lt3A_313 = arith.cmpf olt, %reduce_min3A_304, %select_n3A_285 : vector<256xf32>
    %select_n3A_314 = arith.select %lt3A_313, %reduce_min3A_304, %select_n3A_285 : vector<256xi1>, vector<256xf32>
    %add3A_315 = arith.constant 5120 : i32
    %add3A_316 = vector.broadcast %add3A_315 : i32 to vector<256xi32>
    %add3A_317 = arith.addi %reduce_min3A_312, %add3A_316 : vector<256xi32>
    %select_n3A_318 = arith.select %lt3A_313, %add3A_317, %select_n3A_289 : vector<256xi1>, vector<256xi32>
    %get3A_319 = arith.constant 5632 : index
    %get3A_320 = arith.constant 0 : index
    %get3A_321 = vector.load %arg2[%get3A_319, %get3A_320] : memref<8192x768xf32, #tpu.memory_space<vmem>>, vector<512x768xf32>
    %convert_element_type3A_322 = arith.truncf %get3A_321 : vector<512x768xf32> to vector<512x768xbf16>
    %dot_general3A_323 = arith.constant dense<0.000000e+00> : vector<256x512xf32>
    %dot_general3A_324 = tpu.matmul %convert_element_type3A, %convert_element_type3A_322, %dot_general3A_323 {dimension_numbers = #tpu.dot_dimension_numbers<[1], [1], [0], [0], [0, 0, 1, 0], [], []>, transpose_lhs_hint = false} : vector<256x768xbf16>, vector<512x768xbf16>, vector<256x512xf32> -> vector<256x512xf32>
    %sub3A_325 = vector.broadcast %get3A_4 : vector<256x1xf32> to vector<256x512xf32>
    %sub3A_326 = arith.subf %sub3A_325, %dot_general3A_324 : vector<256x512xf32>
    %get3A_327 = arith.constant 0 : index
    %get3A_328 = arith.constant 5632 : index
    %get3A_329 = vector.load %arg4[%get3A_327, %get3A_328] : memref<1x8192xf32, #tpu.memory_space<vmem>>, vector<1x512xf32>
    %add3A_330 = vector.broadcast %get3A_329 : vector<1x512xf32> to vector<256x512xf32>
    %add3A_331 = arith.addf %sub3A_326, %add3A_330 : vector<256x512xf32>
    %reduce_min3A_332 = arith.constant dense<0x7F800000> : vector<256xf32>
    %reduce_min3A_333 = vector.multi_reduction <minimumf>, %add3A_331, %reduce_min3A_332 [1] : vector<256x512xf32> to vector<256xf32>
    %broadcast_in_dim3A_334 = vector.shape_cast %reduce_min3A_333 : vector<256xf32> to vector<256x1xf32>
    %eq3A_335 = vector.broadcast %broadcast_in_dim3A_334 : vector<256x1xf32> to vector<256x512xf32>
    %eq3A_336 = arith.cmpf oeq, %add3A_331, %eq3A_335 : vector<256x512xf32>
    %jit3A_337 = arith.constant 8192 : i32
    %broadcast_in_dim3A_338 = vector.broadcast %jit3A_337 : i32 to vector<256x512xi32>
    %select_n3A_339 = arith.select %eq3A_336, %iota3A, %broadcast_in_dim3A_338 : vector<256x512xi1>, vector<256x512xi32>
    %reduce_min3A_340 = arith.constant dense<2147483647> : vector<256xi32>
    %reduce_min3A_341 = vector.multi_reduction <minsi>, %select_n3A_339, %reduce_min3A_340 [1] : vector<256x512xi32> to vector<256xi32>
    %lt3A_342 = arith.cmpf olt, %reduce_min3A_333, %select_n3A_314 : vector<256xf32>
    %select_n3A_343 = arith.select %lt3A_342, %reduce_min3A_333, %select_n3A_314 : vector<256xi1>, vector<256xf32>
    %add3A_344 = arith.constant 5632 : i32
    %add3A_345 = vector.broadcast %add3A_344 : i32 to vector<256xi32>
    %add3A_346 = arith.addi %reduce_min3A_341, %add3A_345 : vector<256xi32>
    %select_n3A_347 = arith.select %lt3A_342, %add3A_346, %select_n3A_318 : vector<256xi1>, vector<256xi32>
    %get3A_348 = arith.constant 6144 : index
    %get3A_349 = arith.constant 0 : index
    %get3A_350 = vector.load %arg2[%get3A_348, %get3A_349] : memref<8192x768xf32, #tpu.memory_space<vmem>>, vector<512x768xf32>
    %convert_element_type3A_351 = arith.truncf %get3A_350 : vector<512x768xf32> to vector<512x768xbf16>
    %dot_general3A_352 = arith.constant dense<0.000000e+00> : vector<256x512xf32>
    %dot_general3A_353 = tpu.matmul %convert_element_type3A, %convert_element_type3A_351, %dot_general3A_352 {dimension_numbers = #tpu.dot_dimension_numbers<[1], [1], [0], [0], [0, 0, 1, 0], [], []>, transpose_lhs_hint = false} : vector<256x768xbf16>, vector<512x768xbf16>, vector<256x512xf32> -> vector<256x512xf32>
    %sub3A_354 = vector.broadcast %get3A_4 : vector<256x1xf32> to vector<256x512xf32>
    %sub3A_355 = arith.subf %sub3A_354, %dot_general3A_353 : vector<256x512xf32>
    %get3A_356 = arith.constant 0 : index
    %get3A_357 = arith.constant 6144 : index
    %get3A_358 = vector.load %arg4[%get3A_356, %get3A_357] : memref<1x8192xf32, #tpu.memory_space<vmem>>, vector<1x512xf32>
    %add3A_359 = vector.broadcast %get3A_358 : vector<1x512xf32> to vector<256x512xf32>
    %add3A_360 = arith.addf %sub3A_355, %add3A_359 : vector<256x512xf32>
    %reduce_min3A_361 = arith.constant dense<0x7F800000> : vector<256xf32>
    %reduce_min3A_362 = vector.multi_reduction <minimumf>, %add3A_360, %reduce_min3A_361 [1] : vector<256x512xf32> to vector<256xf32>
    %broadcast_in_dim3A_363 = vector.shape_cast %reduce_min3A_362 : vector<256xf32> to vector<256x1xf32>
    %eq3A_364 = vector.broadcast %broadcast_in_dim3A_363 : vector<256x1xf32> to vector<256x512xf32>
    %eq3A_365 = arith.cmpf oeq, %add3A_360, %eq3A_364 : vector<256x512xf32>
    %jit3A_366 = arith.constant 8192 : i32
    %broadcast_in_dim3A_367 = vector.broadcast %jit3A_366 : i32 to vector<256x512xi32>
    %select_n3A_368 = arith.select %eq3A_365, %iota3A, %broadcast_in_dim3A_367 : vector<256x512xi1>, vector<256x512xi32>
    %reduce_min3A_369 = arith.constant dense<2147483647> : vector<256xi32>
    %reduce_min3A_370 = vector.multi_reduction <minsi>, %select_n3A_368, %reduce_min3A_369 [1] : vector<256x512xi32> to vector<256xi32>
    %lt3A_371 = arith.cmpf olt, %reduce_min3A_362, %select_n3A_343 : vector<256xf32>
    %select_n3A_372 = arith.select %lt3A_371, %reduce_min3A_362, %select_n3A_343 : vector<256xi1>, vector<256xf32>
    %add3A_373 = arith.constant 6144 : i32
    %add3A_374 = vector.broadcast %add3A_373 : i32 to vector<256xi32>
    %add3A_375 = arith.addi %reduce_min3A_370, %add3A_374 : vector<256xi32>
    %select_n3A_376 = arith.select %lt3A_371, %add3A_375, %select_n3A_347 : vector<256xi1>, vector<256xi32>
    %get3A_377 = arith.constant 6656 : index
    %get3A_378 = arith.constant 0 : index
    %get3A_379 = vector.load %arg2[%get3A_377, %get3A_378] : memref<8192x768xf32, #tpu.memory_space<vmem>>, vector<512x768xf32>
    %convert_element_type3A_380 = arith.truncf %get3A_379 : vector<512x768xf32> to vector<512x768xbf16>
    %dot_general3A_381 = arith.constant dense<0.000000e+00> : vector<256x512xf32>
    %dot_general3A_382 = tpu.matmul %convert_element_type3A, %convert_element_type3A_380, %dot_general3A_381 {dimension_numbers = #tpu.dot_dimension_numbers<[1], [1], [0], [0], [0, 0, 1, 0], [], []>, transpose_lhs_hint = false} : vector<256x768xbf16>, vector<512x768xbf16>, vector<256x512xf32> -> vector<256x512xf32>
    %sub3A_383 = vector.broadcast %get3A_4 : vector<256x1xf32> to vector<256x512xf32>
    %sub3A_384 = arith.subf %sub3A_383, %dot_general3A_382 : vector<256x512xf32>
    %get3A_385 = arith.constant 0 : index
    %get3A_386 = arith.constant 6656 : index
    %get3A_387 = vector.load %arg4[%get3A_385, %get3A_386] : memref<1x8192xf32, #tpu.memory_space<vmem>>, vector<1x512xf32>
    %add3A_388 = vector.broadcast %get3A_387 : vector<1x512xf32> to vector<256x512xf32>
    %add3A_389 = arith.addf %sub3A_384, %add3A_388 : vector<256x512xf32>
    %reduce_min3A_390 = arith.constant dense<0x7F800000> : vector<256xf32>
    %reduce_min3A_391 = vector.multi_reduction <minimumf>, %add3A_389, %reduce_min3A_390 [1] : vector<256x512xf32> to vector<256xf32>
    %broadcast_in_dim3A_392 = vector.shape_cast %reduce_min3A_391 : vector<256xf32> to vector<256x1xf32>
    %eq3A_393 = vector.broadcast %broadcast_in_dim3A_392 : vector<256x1xf32> to vector<256x512xf32>
    %eq3A_394 = arith.cmpf oeq, %add3A_389, %eq3A_393 : vector<256x512xf32>
    %jit3A_395 = arith.constant 8192 : i32
    %broadcast_in_dim3A_396 = vector.broadcast %jit3A_395 : i32 to vector<256x512xi32>
    %select_n3A_397 = arith.select %eq3A_394, %iota3A, %broadcast_in_dim3A_396 : vector<256x512xi1>, vector<256x512xi32>
    %reduce_min3A_398 = arith.constant dense<2147483647> : vector<256xi32>
    %reduce_min3A_399 = vector.multi_reduction <minsi>, %select_n3A_397, %reduce_min3A_398 [1] : vector<256x512xi32> to vector<256xi32>
    %lt3A_400 = arith.cmpf olt, %reduce_min3A_391, %select_n3A_372 : vector<256xf32>
    %select_n3A_401 = arith.select %lt3A_400, %reduce_min3A_391, %select_n3A_372 : vector<256xi1>, vector<256xf32>
    %add3A_402 = arith.constant 6656 : i32
    %add3A_403 = vector.broadcast %add3A_402 : i32 to vector<256xi32>
    %add3A_404 = arith.addi %reduce_min3A_399, %add3A_403 : vector<256xi32>
    %select_n3A_405 = arith.select %lt3A_400, %add3A_404, %select_n3A_376 : vector<256xi1>, vector<256xi32>
    %get3A_406 = arith.constant 7168 : index
    %get3A_407 = arith.constant 0 : index
    %get3A_408 = vector.load %arg2[%get3A_406, %get3A_407] : memref<8192x768xf32, #tpu.memory_space<vmem>>, vector<512x768xf32>
    %convert_element_type3A_409 = arith.truncf %get3A_408 : vector<512x768xf32> to vector<512x768xbf16>
    %dot_general3A_410 = arith.constant dense<0.000000e+00> : vector<256x512xf32>
    %dot_general3A_411 = tpu.matmul %convert_element_type3A, %convert_element_type3A_409, %dot_general3A_410 {dimension_numbers = #tpu.dot_dimension_numbers<[1], [1], [0], [0], [0, 0, 1, 0], [], []>, transpose_lhs_hint = false} : vector<256x768xbf16>, vector<512x768xbf16>, vector<256x512xf32> -> vector<256x512xf32>
    %sub3A_412 = vector.broadcast %get3A_4 : vector<256x1xf32> to vector<256x512xf32>
    %sub3A_413 = arith.subf %sub3A_412, %dot_general3A_411 : vector<256x512xf32>
    %get3A_414 = arith.constant 0 : index
    %get3A_415 = arith.constant 7168 : index
    %get3A_416 = vector.load %arg4[%get3A_414, %get3A_415] : memref<1x8192xf32, #tpu.memory_space<vmem>>, vector<1x512xf32>
    %add3A_417 = vector.broadcast %get3A_416 : vector<1x512xf32> to vector<256x512xf32>
    %add3A_418 = arith.addf %sub3A_413, %add3A_417 : vector<256x512xf32>
    %reduce_min3A_419 = arith.constant dense<0x7F800000> : vector<256xf32>
    %reduce_min3A_420 = vector.multi_reduction <minimumf>, %add3A_418, %reduce_min3A_419 [1] : vector<256x512xf32> to vector<256xf32>
    %broadcast_in_dim3A_421 = vector.shape_cast %reduce_min3A_420 : vector<256xf32> to vector<256x1xf32>
    %eq3A_422 = vector.broadcast %broadcast_in_dim3A_421 : vector<256x1xf32> to vector<256x512xf32>
    %eq3A_423 = arith.cmpf oeq, %add3A_418, %eq3A_422 : vector<256x512xf32>
    %jit3A_424 = arith.constant 8192 : i32
    %broadcast_in_dim3A_425 = vector.broadcast %jit3A_424 : i32 to vector<256x512xi32>
    %select_n3A_426 = arith.select %eq3A_423, %iota3A, %broadcast_in_dim3A_425 : vector<256x512xi1>, vector<256x512xi32>
    %reduce_min3A_427 = arith.constant dense<2147483647> : vector<256xi32>
    %reduce_min3A_428 = vector.multi_reduction <minsi>, %select_n3A_426, %reduce_min3A_427 [1] : vector<256x512xi32> to vector<256xi32>
    %lt3A_429 = arith.cmpf olt, %reduce_min3A_420, %select_n3A_401 : vector<256xf32>
    %select_n3A_430 = arith.select %lt3A_429, %reduce_min3A_420, %select_n3A_401 : vector<256xi1>, vector<256xf32>
    %add3A_431 = arith.constant 7168 : i32
    %add3A_432 = vector.broadcast %add3A_431 : i32 to vector<256xi32>
    %add3A_433 = arith.addi %reduce_min3A_428, %add3A_432 : vector<256xi32>
    %select_n3A_434 = arith.select %lt3A_429, %add3A_433, %select_n3A_405 : vector<256xi1>, vector<256xi32>
    %get3A_435 = arith.constant 7680 : index
    %get3A_436 = arith.constant 0 : index
    %get3A_437 = vector.load %arg2[%get3A_435, %get3A_436] : memref<8192x768xf32, #tpu.memory_space<vmem>>, vector<512x768xf32>
    %convert_element_type3A_438 = arith.truncf %get3A_437 : vector<512x768xf32> to vector<512x768xbf16>
    %dot_general3A_439 = arith.constant dense<0.000000e+00> : vector<256x512xf32>
    %dot_general3A_440 = tpu.matmul %convert_element_type3A, %convert_element_type3A_438, %dot_general3A_439 {dimension_numbers = #tpu.dot_dimension_numbers<[1], [1], [0], [0], [0, 0, 1, 0], [], []>, transpose_lhs_hint = false} : vector<256x768xbf16>, vector<512x768xbf16>, vector<256x512xf32> -> vector<256x512xf32>
    %sub3A_441 = vector.broadcast %get3A_4 : vector<256x1xf32> to vector<256x512xf32>
    %sub3A_442 = arith.subf %sub3A_441, %dot_general3A_440 : vector<256x512xf32>
    %get3A_443 = arith.constant 0 : index
    %get3A_444 = arith.constant 7680 : index
    %get3A_445 = vector.load %arg4[%get3A_443, %get3A_444] : memref<1x8192xf32, #tpu.memory_space<vmem>>, vector<1x512xf32>
    %add3A_446 = vector.broadcast %get3A_445 : vector<1x512xf32> to vector<256x512xf32>
    %add3A_447 = arith.addf %sub3A_442, %add3A_446 : vector<256x512xf32>
    %reduce_min3A_448 = arith.constant dense<0x7F800000> : vector<256xf32>
    %reduce_min3A_449 = vector.multi_reduction <minimumf>, %add3A_447, %reduce_min3A_448 [1] : vector<256x512xf32> to vector<256xf32>
    %broadcast_in_dim3A_450 = vector.shape_cast %reduce_min3A_449 : vector<256xf32> to vector<256x1xf32>
    %eq3A_451 = vector.broadcast %broadcast_in_dim3A_450 : vector<256x1xf32> to vector<256x512xf32>
    %eq3A_452 = arith.cmpf oeq, %add3A_447, %eq3A_451 : vector<256x512xf32>
    %jit3A_453 = arith.constant 8192 : i32
    %broadcast_in_dim3A_454 = vector.broadcast %jit3A_453 : i32 to vector<256x512xi32>
    %select_n3A_455 = arith.select %eq3A_452, %iota3A, %broadcast_in_dim3A_454 : vector<256x512xi1>, vector<256x512xi32>
    %reduce_min3A_456 = arith.constant dense<2147483647> : vector<256xi32>
    %reduce_min3A_457 = vector.multi_reduction <minsi>, %select_n3A_455, %reduce_min3A_456 [1] : vector<256x512xi32> to vector<256xi32>
    %lt3A_458 = arith.cmpf olt, %reduce_min3A_449, %select_n3A_430 : vector<256xf32>
    %select_n3A_459 = arith.select %lt3A_458, %reduce_min3A_449, %select_n3A_430 : vector<256xi1>, vector<256xf32>
    %add3A_460 = arith.constant 7680 : i32
    %add3A_461 = vector.broadcast %add3A_460 : i32 to vector<256xi32>
    %add3A_462 = arith.addi %reduce_min3A_457, %add3A_461 : vector<256xi32>
    %select_n3A_463 = arith.select %lt3A_458, %add3A_462, %select_n3A_434 : vector<256xi1>, vector<256xi32>
    %swap3A = arith.constant 0 : index
    %swap3A_464 = arith.constant 0 : index
    %swap3A_465 = arith.constant 0 : index
    %swap3A_466 = vector.load %arg5[%swap3A, %swap3A_464, %swap3A_465] : memref<1x1x256xi32, #tpu.memory_space<vmem>>, vector<1x1x256xi32>
    %swap3A_467 = vector.shape_cast %swap3A_466 : vector<1x1x256xi32> to vector<256xi32>
    %swap3A_468 = vector.shape_cast %select_n3A_463 : vector<256xi32> to vector<1x1x256xi32>
    tpu.vector_store %arg5[%swap3A, %swap3A_464, %swap3A_465], %swap3A_468 {strides = array<i32>} : memref<1x1x256xi32, #tpu.memory_space<vmem>>, vector<1x1x256xi32>,
    %reduce_sum3A = vector.shape_cast %select_n3A_459 : vector<256xf32> to vector<1x256xf32>
    %reduce_sum3A_469 = arith.constant dense<0.000000e+00> : vector<1xf32>
    %reduce_sum3A_470 = vector.multi_reduction <add>, %reduce_sum3A, %reduce_sum3A_469 [1] : vector<1x256xf32> to vector<1xf32>
    %reduce_sum3A_471 = vector.shape_cast %reduce_sum3A_470 : vector<1xf32> to vector<1x1xf32>
    %reduce_sum3A_472 = vector.extract %reduce_sum3A_471[0, 0] : f32 from vector<1x1xf32>
    %eq3A_473 = arith.constant 0 : i32
    %eq3A_474 = arith.cmpi eq, %arg0, %eq3A_473 : i32
    %get3A_475 = arith.constant 0 : index
    %get3A_476 = arith.constant 0 : index
    %get3A_477 = memref.load %arg7[%get3A_475, %get3A_476] : memref<1x1xf32, #tpu.memory_space<smem>>
    %jit3A_478 = arith.constant 0.000000e+00 : f32
    %select_n3A_479 = arith.select %eq3A_474, %jit3A_478, %get3A_477 : f32
    %add3A_480 = arith.addf %select_n3A_479, %reduce_sum3A_472 : f32
    %swap3A_481 = arith.constant 0 : index
    %swap3A_482 = arith.constant 0 : index
    %swap3A_483 = memref.load %arg7[%swap3A_481, %swap3A_482] : memref<1x1xf32, #tpu.memory_space<smem>>
    memref.store %add3A_480, %arg7[%swap3A_481, %swap3A_482] : memref<1x1xf32, #tpu.memory_space<smem>>
    %eq3A_484 = arith.constant 63 : i32
    %eq3A_485 = arith.cmpi eq, %arg0, %eq3A_484 : i32
    %convert_element_type3A_486 = arith.extui %eq3A_485 : i1 to i32
    %cond3A = arith.constant 0 : i32
    %cond3A_487 = arith.cmpi ne, %convert_element_type3A_486, %cond3A : i32
    scf.if %cond3A_487 {
      %get3A_488 = arith.constant 0 : index
      %get3A_489 = arith.constant 0 : index
      %get3A_490 = memref.load %arg7[%get3A_488, %get3A_489] : memref<1x1xf32, #tpu.memory_space<smem>>
      %div3A = arith.constant 0x4B400000 : f32
      %div3A_491 = arith.divf %get3A_490, %div3A : f32
      %swap3A_492 = arith.constant 0 : index
      %swap3A_493 = arith.constant 0 : index
      %swap3A_494 = memref.load %arg6[%swap3A_492, %swap3A_493] : memref<1x1xf32, #tpu.memory_space<smem>>
      memref.store %div3A_491, %arg6[%swap3A_492, %swap3A_493] : memref<1x1xf32, #tpu.memory_space<smem>>
    } else {
    }
    return
  }
  func.func @transform_0(%arg0: i32) -> (i32, i32) {
    %c0_i32 = arith.constant 0 : i32
    %c0_i32_0 = arith.constant 0 : i32
    return %arg0, %c0_i32 : i32, i32
  }
  func.func @transform_1(%arg0: i32) -> (i32, i32) {
    %c0_i32 = arith.constant 0 : i32
    %c0_i32_0 = arith.constant 0 : i32
    %c0_i32_1 = arith.constant 0 : i32
    return %c0_i32, %c0_i32_0 : i32, i32
  }
  func.func @transform_2(%arg0: i32) -> (i32, i32) {
    %c0_i32 = arith.constant 0 : i32
    %c0_i32_0 = arith.constant 0 : i32
    return %arg0, %c0_i32 : i32, i32
  }
  func.func @transform_3(%arg0: i32) -> (i32, i32) {
    %c0_i32 = arith.constant 0 : i32
    %c0_i32_0 = arith.constant 0 : i32
    %c0_i32_1 = arith.constant 0 : i32
    return %c0_i32, %c0_i32_0 : i32, i32
  }
  func.func @transform_4(%arg0: i32) -> (i32, i32, i32) {
    %c0_i32 = arith.constant 0 : i32
    %c0_i32_0 = arith.constant 0 : i32
    %c0_i32_1 = arith.constant 0 : i32
    return %arg0, %c0_i32, %c0_i32_0 : i32, i32, i32
  }
  func.func @transform_5(%arg0: i32) -> (i32, i32) {
    %c0_i32 = arith.constant 0 : i32
    %c0_i32_0 = arith.constant 0 : i32
    %c0_i32_1 = arith.constant 0 : i32
    return %c0_i32, %c0_i32_0 : i32, i32
  }
}

</mosaic_0001>

<sc_bundles>
// kernel: kernel.4.cloned.1.call-start
scs
__scs_entry_jumppad:
0x0: {  	(pc) =	sbr.rel $0x88, $3  }
0x1: {  	(tag) =	ssettag $0x0;
	lr =	simm.s32 $0x1  }
0x2: {  	[smem:$0x3F9F] =	sst lr;
	_ =	strace $0xD0000000  }
0x3: {  	_ = 	snop  }
0x4: {  	_ = 	snop  }
0x5: {  	_ = 	snop  }
0x6: {  	_ = 	snop  }
0x7: {  	_ = 	snop  }
__scs_overlays_trampoline_lowered:
0x8: {  	[smem:$0x3FAE] =	sst s0  }
0x9: {  	[smem:$0x3FAF] =	sst s1  }
0xa: {  	[smem:$0x3FB0] =	sst s2  }
0xb: {  	[smem:$0x3FB1] =	sst s3  }
0xc: {  	[smem:$0x3FB2] =	sst s4  }
0xd: {  	[smem:$0x3FB3] =	sst s5  }
0xe: {  	[smem:$0x3FB4] =	sst s6  }
0xf: {  	[smem:$0x3FB5] =	sst s7  }
0x10: {  	[smem:$0x3FB6] =	sst s8  }
0x11: {  	[smem:$0x3FB7] =	sst s9;
	s0 =	simm.s32 @!p0 $0x0  }
0x12: {  	s1 =	sld [smem:$0x3F9D];
	s0 =	simm.s32 @p0 $0x1  }
0x13: {  	[smem:$0x3FB8] =	sst s0;
	s0 =	simm.s32 @!p1 $0x0  }
0x14: {  	s2 =	sld [smem:$0x3F9C];
	s0 =	simm.s32 @p1 $0x1  }
0x15: {  	[smem:$0x3FB9] =	sst s0;
	s0 =	simm.s32 @!p2 $0x0  }
0x16: {  	s3 =	sld [smem:$0x3FDB];
	s0 =	simm.s32 @p2 $0x1  }
0x17: {  	s4 =	simm.s32 $0x1BF5;
	[smem:$0x3FBB] =	sst s0  }
0x18: {  	s0 =	sld [smem:$0x3F9E];
	_ =	swait.ge [sflag:s4], $0x0  }
0x19: {  	s7 =	sld [smem:$0x3F9F]  }
0x1a: {  	s8 =	sadd.s32 $0xFFFFE003, lr  }
0x1b: {  	s9 =	sadd.s32 $0xFFFFFEF7, lr;
	s5 =	simm.s32 $0xFFFFFFFF;
	p2 =	slt.u32 s8, $0xFFFFF086  }
0x1c: {  	p1 =	slt.u32 s9, $0xF7A;
	s5 =	simm.s32 @!p2 $0x0  }
0x1d: {  	s5 =	simm.s32 @p1 $0x1;
	p0 =	seq.s32 s7, s2  }
0x1e: {  	s7 =	smul.u32 @!p0 $0xF7A, s2;
	p2 =	seq.s32 @!p0 s5, $0x0  }
0x1f: {  	s9 =	smul.u32 $0xF7A, s1;
	s8 =	simm.s32 @!p0 $0x1BF5;
	p2 =	por !p2, p0  }
0x20: {  	[sflag:s8] =	ssyncset.s32 @!p0 $0xFFFFF086;
	s6 =	sadd.s32 @!p0 s3, s7;
	s7 =	simm.s32 @!p0 $0x108  }
0x21: {  	s3 =	sadd.s32 s3, s9;
	s6 =	sadd.s32 @!p0 $0x88, s6;
	s7 =	simm.s32 @p2 $0x1082  }
0x22: {  	[simem:s7], [sflag:s8] =	dma.local @!p0 [hbm:s6], $0xF7A  }
0x23: {  	s9 =	sor.u32 $0xD0000000, s2;
	s6 =	simm.s32 $0x108;
	_ =	swait.ge @!p0 [sflag:s8], $0x0  }
0x24: {  	s3 =	sadd.s32 $0x88, s3;
	s6 =	simm.s32 @!p1 $0x1082;
	[sflag:s4] =	ssyncset.s32 $0xFFFFF086  }
0x25: {  	[simem:s6], [sflag:s4] =	dma.local [hbm:s3], $0xF7A  }
0x26: {  	[smem:$0x3F9F] =	sst s1;
	(tag) =	ssettag s2;
	_ =	strace s9  }
0x27: {  	s1 =	sld [smem:$0x3FAF]  }
0x28: {  	s2 =	sld [smem:$0x3FB0]  }
0x29: {  	s4 =	sld [smem:$0x3FB2]  }
0x2a: {  	p0 =	seq.s32 s5, $0x0;
	s5 =	sld [smem:$0x3FB3]  }
0x2b: {  	s6 =	sld [smem:$0x3FB4]  }
0x2c: {  	s7 =	sld [smem:$0x3FB5]  }
0x2d: {  	s3 =	simm.s32 $0x108;
	s8 =	sld [smem:$0x3FB6]  }
0x2e: {  	s3 =	simm.s32 @!p0 $0x1082;
	s9 =	sld [smem:$0x3FB7]  }
0x2f: {  	lr =	sadd.s32 s0, s3;
	s0 =	sld [smem:$0x3FAE]  }
0x30: {  	s3 =	sld [smem:$0x3FB1]  }
0x31: {  	[smem:$0x3FBA] =	sst s10  }
0x32: {  	s10 =	sld [smem:$0x3FB8];
	_ =	sdelay $0x3  }
0x33: {  	p0 =	seq.s32 s10, $0x1;
	s10 =	sld [smem:$0x3FBA];
	_ =	sdelay $0x3  }
0x34: {  	[smem:$0x3FBA] =	sst s10  }
0x35: {  	s10 =	sld [smem:$0x3FB9];
	_ =	sdelay $0x3  }
0x36: {  	p1 =	seq.s32 s10, $0x1;
	s10 =	sld [smem:$0x3FBA];
	_ =	sdelay $0x3  }
0x37: {  	[smem:$0x3FBA] =	sst s10  }
0x38: {  	s10 =	sld [smem:$0x3FBB]  }
0x39: {  	_ = 	snop;
	(pc) =	sbr.ind lr, $3  }
0x3a: {  	_ = 	snop  }
0x3b: {  	_ = 	snop  }
0x3c: {  	p2 =	seq.s32 s10, $0x1;
	s10 =	sld [smem:$0x3FBA]  }
0x3d: {  	_ =	shalt  }
0x3e: {  	_ =	shalt  }
0x3f: {  	_ =	shalt  }
0x40: {  	_ =	shalt  }
0x41: {  	_ =	shalt  }
0x42: {  	_ =	shalt  }
0x43: {  	_ =	shalt  }
0x44: {  	_ =	shalt  }
0x45: {  	_ =	shalt  }
0x46: {  	_ =	shalt  }
0x47: {  	_ =	shalt  }
0x48: {  	_ =	shalt  }
0x49: {  	_ =	shalt  }
0x4a: {  	_ =	shalt  }
0x4b: {  	_ =	shalt  }
0x4c: {  	_ =	shalt  }
0x4d: {  	_ =	shalt  }
0x4e: {  	_ =	shalt  }
0x4f: {  	_ =	shalt  }
0x50: {  	_ =	shalt  }
0x51: {  	_ =	shalt  }
0x52: {  	_ =	shalt  }
0x53: {  	_ =	shalt  }
0x54: {  	_ =	shalt  }
0x55: {  	_ =	shalt  }
0x56: {  	_ =	shalt  }
0x57: {  	_ =	shalt  }
0x58: {  	_ =	shalt  }
0x59: {  	_ =	shalt  }
0x5a: {  	_ =	shalt  }
0x5b: {  	_ =	shalt  }
0x5c: {  	_ =	shalt  }
0x5d: {  	_ =	shalt  }
0x5e: {  	_ =	shalt  }
0x5f: {  	_ =	shalt  }
0x60: {  	_ =	shalt  }
0x61: {  	_ =	shalt  }
0x62: {  	_ =	shalt  }
0x63: {  	_ =	shalt  }
0x64: {  	_ =	shalt  }
0x65: {  	_ =	shalt  }
0x66: {  	_ =	shalt  }
0x67: {  	_ =	shalt  }
0x68: {  	_ =	shalt  }
0x69: {  	_ =	shalt  }
0x6a: {  	_ =	shalt  }
0x6b: {  	_ =	shalt  }
0x6c: {  	_ =	shalt  }
0x6d: {  	_ =	shalt  }
0x6e: {  	_ =	shalt  }
0x6f: {  	_ =	shalt  }
0x70: {  	_ =	shalt  }
0x71: {  	_ =	shalt  }
0x72: {  	_ =	shalt  }
0x73: {  	_ =	shalt  }
0x74: {  	_ =	shalt  }
0x75: {  	_ =	shalt  }
0x76: {  	_ =	shalt  }
0x77: {  	_ =	shalt  }
0x78: {  	_ =	shalt  }
0x79: {  	_ =	shalt  }
0x7a: {  	_ =	shalt  }
0x7b: {  	_ =	shalt  }
0x7c: {  	_ =	shalt  }
0x7d: {  	_ =	shalt  }
0x7e: {  	_ =	shalt  }
0x7f: {  	_ =	shalt  }
0x80: {  	_ =	shalt  }
0x81: {  	_ =	shalt  }
0x82: {  	_ =	shalt  }
0x83: {  	_ =	shalt  }
0x84: {  	_ =	shalt  }
0x85: {  	_ =	shalt  }
0x86: {  	_ =	shalt  }
0x87: {  	_ =	shalt  }
.Lfunc_end0:
.L_simem_size_0:
called_computation_lowered:
.L_overlay_start_0:
0x88: {  	s2 =	sld [smem:$0x3FD9]  }
0x89: {  	s3 =	sld [smem:$0x3FFE];
	_ =	sdelay $0x1  }
0x8a: {  	s1 =	srdreg.scid  }
0x8b: {  	s0 =	sand.u32 $0x1, s1  }
0x8c: {  	s15 =	sshll.u32 s0, $0xA;
	s2 =	sadd.s32 s3, s2  }
0x8d: {  	s2 =	sadd.s32 s2, s15  }
0x8e: {  	[smem:$0x3FC6] =	sst s2  }
0x8f: {  	_ = 	snop  }
0x90: {  	s2 =	sld [smem:$0x3FD0];
	_ =	sdelay $0x2  }
0x91: {  	s4 =	simm.s32 $0xA;
	s5 =	simm.s32 $0x10;
	s16 =	sld [smem:$0x3FC8]  }
0x92: {  	[smem:s5], [sflag:s4] =	dma.local [hbm:s2], $0x1  }
0x93: {  	_ =	swait.eq [sflag:s4], $0x1  }
0x94: {  	[sflag:s4] =	ssyncset.done $0x0  }
0x95: {  	s17 =	sld [smem:$0x10];
	[sflag:s4] =	ssyncadd.s32 $0xFFFFFFFF  }
0x96: {  	s18 =	sld [smem:$0x12];
	(tm) =	ssettm $0x1  }
0x97: {  	s19 =	sld [smem:$0x3FFB];
	_ =	sdelay $0x3  }
0x98: {  	_ =	strace s19  }
0x99: {  	s5 =	sld [smem:$0x3FFC];
	_ =	sdelay $0x3  }
0x9a: {  	_ =	strace s5  }
0x9b: {  	s5 =	sld [smem:$0x3FFD];
	_ =	sdelay $0x3  }
0x9c: {  	_ =	strace s5  }
0x9d: {  	_ =	strace $0x8FFFFFFF  }
0x9e: {  	s20 =	sld [smem:$0x3FDB];
	_ =	sdelay $0x1  }
0x9f: {  	s6 =	simm.s32 $_scs_section_size  }
0xa0: {  	s7 =	simm.s32 $_size__tile_overlayer_lowered;
	s8 =	simm.s32 $_tile_overlayer_lowered  }
0xa1: {  	s23 =	simm.s32 $0x1BFF;
	s22 =	sshll.u32 s8, $0x1;
	s5 =	sadd.s32 s6, s20  }
0xa2: {  	s9 =	simm.s32 $0x0;
	s21 =	sshll.u32 s7, $0x1;
	s7 =	sadd.s32 s22, s5  }
0xa3: {  	[timem:s9], [sflag:s23] =	dma.local [hbm:s7], s21  }
0xa4: {  	_ =	swait.ge [sflag:s23], s21  }
0xa5: {  	s6 =	ssub.s32 $0x0, s21;
	[sflag:s23] =	ssyncset.done $0x0  }
0xa6: {  	[sflag:s23] =	ssyncadd.s32 s6;
	_ =	sdelay $0x1  }
0xa7: {  	s24 =	simm.s32 $0x1B8B  }
0xa8: {  	_ =	swait.ge [sflag:s24], $0x1  }
0xa9: {  	[sflag:s24] =	ssyncset.done $0x0  }
0xaa: {  	s25 =	simm.s32 $0x1B8E;
	[sflag:s24] =	ssyncadd.s32 $0xFFFFFFFF  }
0xab: {  	s26 =	simm.s32 $execute0_lowered;
	[smem:$0x3FD2] =	sst s25  }
0xac: {  	s6 =	sshll.u32 s26, $0x1;
	_ =	strace $0x80000046;
	[dreg:$0x1] =	wrdreg $0xFFFFFFFF  }
0xad: {  	s28 =	simm.s32 $_size_execute0_lowered;
	s5 =	sadd.s32 s5, s6;
	[dreg:$0x0] =	wrdreg $0x0  }
0xae: {  	s6 =	sshll.u32 s28, $0x1;
	[dreg:$0x2] =	wrdreg s5  }
0xaf: {  	[dreg:$0x3] =	wrdreg s6  }
0xb0: {  	[dreg:$0x4] =	wrdreg $0xC0  }
0xb1: {  	_ =	task [dreg:s9], $0x5FFFF  }
0xb2: {  	[dreg:$0x1] =	wrdreg $0xFFFFFFFF  }
0xb3: {  	[dreg:$0x0] =	wrdreg $0x60  }
0xb4: {  	[dreg:$0x2] =	wrdreg s16  }
0xb5: {  	[dreg:$0x3] =	wrdreg s18  }
0xb6: {  	[dreg:$0x4] =	wrdreg s17  }
0xb7: {  	[dreg:$0x5] =	wrdreg $0x9  }
0xb8: {  	_ =	task.clear_ibuf [dreg:s9], $0x6FFFF;
	_ =	strace $0x90000046  }
0xb9: {  	s29 =	simm.s32 $0x9;
	_ =	strace $0x80000048  }
0xba: {  	_ =	swait.ge [sflag:s29], $0x1  }
0xbb: {  	[sflag:s29] =	ssyncadd.s32 $0xFFFFFFFF  }
0xbc: {  	_ =	strace $0x90000048  }
0xbd: {  	_ =	sfence  }
0xbe: {  	s30 =	sld [smem:$0x0];
	_ =	sdelay $0x2  }
0xbf: {  	s31 =	sshll.u32 s1, $0xD;
	s1 =	sshrl.u32 s1, $0x2  }
0xc0: {  	s3 =	sand.u32 $0x4000, s31;
	s1 =	sadd.s32 s1, s30  }
0xc1: {  	s0 =	sor.u32 s3, s0;
	s1 =	sshll.u32 s1, $0x11  }
0xc2: {  	s0 =	sor.u32 s1, s0  }
0xc3: {  	s0 =	sadd.s32 $0x8F2B, s0  }
0xc4: {  	[sflag:s0] =	ssyncadd.remote.s32 $0x1  }
0xc5: {  	_ =	sfence.sel $0xFFFF  }
0xc6: {  	[dreg:$0x0] =	wrdreg $0xFFFFFFFF;
	(pc) =	sbr.abs _section_cstart, $3  }
0xc7: {  	[dreg:$0x1] =	wrdreg $0xFFFFFFFF  }
0xc8: {  	_ =	task.clear_ibuf [dreg:s9], $0x2FFFF;
	_ =	strace $0x9FFFFFFF  }
0xc9: {  	(tm) =	ssettm $0x7FFFFFFF  }
tec
execute0_lowered:
.L_overlay_start_1:
0x0: {  	(tag) =	ssettag $0x1  }
0x1: {  	s1 =	rddreg [dreg:$0x0]  }
0x2: {  	s0 =	rddreg [dreg:$0x1]  }
0x3: {  	s2 =	rddreg [dreg:$0x2];
	s4 =	srdreg.scid  }
0x4: {  	s3 =	simm.s32 $0x0;
	s5 =	stileid.u32;
	s4 =	sand.u32 $0x1, s4  }
0x5: {  	[smem:$0x7FF] =	sst s3;
	s5 =	sshll.u32 s5, $0x7;
	s6 =	sshll.u32 s4, $0x6  }
0x6: {  	_ =	strace $0x80000047;
	s4 =	ssub.s32 $0x2, s4;
	s5 =	sor.u32 s6, s5  }
0x7: {  	s9 =	sshrl.u32 s4, $0x1;
	s6 =	sadd.s32 s0, s5;
	s7 =	sor.u32 $0x8, s5  }
0x8: {  	s8 =	smul.u32 $0x300, s5;
	s12 =	sor.u32 $0x10, s5;
	s15 =	sor.u32 $0x18, s5  }
0x9: {  	s18 =	sor.u32 $0x20, s5;
	s21 =	sor.u32 $0x28, s5;
	s24 =	sor.u32 $0x30, s5  }
0xa: {  	s9 =	ssub.s32 s4, s9;
	[dreg:$0x4] =	wrdreg s6;
	s10 =	sadd.s32 s0, s7  }
0xb: {  	s5 =	sor.u32 $0x38, s5;
	s13 =	sadd.s32 s0, s12;
	[dreg:$0x5] =	wrdreg s10  }
0xc: {  	s4 =	sadd.s32 $0x100, s1;
	s16 =	sadd.s32 s0, s15;
	[dreg:$0x7] =	wrdreg s13  }
0xd: {  	s7 =	smul.u32 $0x300, s7;
	s19 =	sadd.s32 s0, s18;
	[dreg:$0x9] =	wrdreg s16  }
0xe: {  	s22 =	sadd.s32 s0, s21;
	s25 =	sadd.s32 s0, s24;
	[dreg:$0xb] =	wrdreg s19  }
0xf: {  	s28 =	smul.u32 $0x300, s24;
	s0 =	sadd.s32 s0, s5;
	[dreg:$0xd] =	wrdreg s22  }
0x10: {  	s29 =	smul.u32 $0x300, s5;
	s5 =	sadd.s32 $0x200, s1;
	[dreg:$0xf] =	wrdreg s25  }
0x11: {  	s6 =	smax.u32 s9, $0x1;
	s11 =	sadd.s32 s2, s8;
	[dreg:$0x11] =	wrdreg s0  }
0x12: {  	s9 =	simm.s32 $0xC100;
	[dreg:$0x6] =	wrdreg s11;
	s14 =	sadd.s32 s2, s7  }
0x13: {  	s8 =	smul.u32 $0x300, s12;
	s30 =	sadd.s32 s2, s28;
	[dreg:$0x8] =	wrdreg s14  }
0x14: {  	s7 =	smul.u32 $0x300, s15;
	s31 =	sadd.s32 s2, s29;
	[dreg:$0x12] =	wrdreg s30  }
0x15: {  	s17 =	sadd.s32 s2, s8;
	s8 =	smul.u32 $0x300, s18;
	[dreg:$0x13] =	wrdreg s31  }
0x16: {  	[dreg:$0xa] =	wrdreg s17;
	s20 =	sadd.s32 s2, s7;
	s7 =	smul.u32 $0x300, s21  }
0x17: {  	v2 =	vlaneseq.u32;
	s10 =	simm.s32 $0x1;
	[dreg:$0xc] =	wrdreg s20;
	s23 =	sadd.s32 s2, s8  }
0x18: {  	vm0 =	vmmov $0xffff;
	v1 =	vshrl.u32 v2, $0x3;
	s11 =	simm.s32 $0x2;
	[dreg:$0xe] =	wrdreg s23;
	s26 =	sadd.s32 s2, s7  }
0x19: {  	v0 =	vand.u32 $0x7, v2;
	v2 =	vor.u32 $0x8, v2;
	v1 =	vmul.u32 $0x8, v1;
	s18 =	simm.s32 $0x100;
	s7 =	simm.s32 $0x3;
	[dreg:$0x10] =	wrdreg s26  }
.LBB2_1:
0x1a: {  	s12 =	rddreg [dreg:$0x4]  }
0x1b: {  	[tilespmem:s3], [sflag:$0x3] =	stream.linear.gather [hbm4b:s12+s3], $0x40, $0x38;
	[tilespmem:$0x18100] =	vst v63  }
0x1c: {  	_ =	swait.ge [sflag:s7], $0x40  }
0x1d: {  	[sflag:s7] =	ssyncset.done $0x0  }
0x1e: {  	[sflag:s7] =	ssyncadd.s32 $0xFFFFFFC0  }
0x1f: {  	v3 =	vld [tilespmem:$0x0];
	_ =	sdelay $0x4  }
0x20: {  	v4 =	vshrl.u32 v3, $0x3  }
0x21: {  	v4 =	vmul.u32 $0x30, v4  }
0x22: {  	v3 =	vand.u32 $0x7, v3  }
0x23: {  	v3 =	vor.u32 v3, v4  }
0x24: {  	v4 =	vperm.xlane v3, v0;
	_ =	sdelay $0x1  }
0x25: {  	v4 =	vadd.s32 v1, v4;
	_ =	sdelay $0x3  }
0x26: {  	v3 =	vperm.xlane v3, v2  }
0x27: {  	[tilespmem:s18], [sflag:$0x1] =	stream.indirect_vreg.gather [hbm4b:s1+s3], $0x80, v4, vm0, $0xb8;
	[tilespmem:$0x18100] =	vst v63  }
0x28: {  	s0 =	simm.s32 $0x900;
	v3 =	vadd.s32 v1, v3  }
0x29: {  	[tilespmem:s0], [sflag:$0x1] =	stream.indirect_vreg.gather [hbm4b:s4+s3], $0x80, v4, vm0, $0xb8;
	[tilespmem:$0x18100] =	vst v63  }
0x2a: {  	s26 =	simm.s32 $0x1100  }
0x2b: {  	[tilespmem:s26], [sflag:$0x1] =	stream.indirect_vreg.gather [hbm4b:s5+s3], $0x80, v4, vm0, $0xb8;
	[tilespmem:$0x18100] =	vst v63  }
0x2c: {  	s28 =	simm.s32 $0x1900  }
0x2d: {  	[tilespmem:s28], [sflag:$0x1] =	stream.indirect_vreg.gather [hbm4b:s1+s3], $0x80, v3, vm0, $0xb8;
	[tilespmem:$0x18100] =	vst v63  }
0x2e: {  	s29 =	simm.s32 $0x2100  }
0x2f: {  	[tilespmem:s29], [sflag:$0x1] =	stream.indirect_vreg.gather [hbm4b:s4+s3], $0x80, v3, vm0, $0xb8;
	[tilespmem:$0x18100] =	vst v63  }
0x30: {  	s30 =	simm.s32 $0x2900  }
0x31: {  	[tilespmem:s30], [sflag:$0x1] =	stream.indirect_vreg.gather [hbm4b:s5+s3], $0x80, v3, vm0, $0xb8;
	[tilespmem:$0x18100] =	vst v63  }
0x32: {  	v3 =	vld [tilespmem:$0x10];
	_ =	sdelay $0x4  }
0x33: {  	v33 =	vshrl.u32 v3, $0x3  }
0x34: {  	v4 =	vmul.u32 $0x30, v33  }
0x35: {  	v3 =	vand.u32 $0x7, v3  }
0x36: {  	v3 =	vor.u32 v3, v4  }
0x37: {  	v4 =	vperm.xlane v3, v0;
	_ =	sdelay $0x1  }
0x38: {  	v4 =	vadd.s32 v1, v4;
	_ =	sdelay $0x3  }
0x39: {  	s31 =	simm.s32 $0x3100;
	v3 =	vperm.xlane v3, v2  }
0x3a: {  	[tilespmem:s31], [sflag:$0x1] =	stream.indirect_vreg.gather [hbm4b:s1+s3], $0x80, v4, vm0, $0xb8;
	[tilespmem:$0x18100] =	vst v63  }
0x3b: {  	s2 =	simm.s32 $0x3900;
	v3 =	vadd.s32 v1, v3  }
0x3c: {  	[tilespmem:s2], [sflag:$0x1] =	stream.indirect_vreg.gather [hbm4b:s4+s3], $0x80, v4, vm0, $0xb8;
	[tilespmem:$0x18100] =	vst v63  }
0x3d: {  	s8 =	simm.s32 $0x4100  }
0x3e: {  	[tilespmem:s8], [sflag:$0x1] =	stream.indirect_vreg.gather [hbm4b:s5+s3], $0x80, v4, vm0, $0xb8;
	[tilespmem:$0x18100] =	vst v63  }
0x3f: {  	s12 =	simm.s32 $0x4900  }
0x40: {  	[tilespmem:s12], [sflag:$0x1] =	stream.indirect_vreg.gather [hbm4b:s1+s3], $0x80, v3, vm0, $0xb8;
	[tilespmem:$0x18100] =	vst v63  }
0x41: {  	s15 =	simm.s32 $0x5100  }
0x42: {  	[tilespmem:s15], [sflag:$0x1] =	stream.indirect_vreg.gather [hbm4b:s4+s3], $0x80, v3, vm0, $0xb8;
	[tilespmem:$0x18100] =	vst v63  }
0x43: {  	s16 =	simm.s32 $0x5900  }
0x44: {  	[tilespmem:s16], [sflag:$0x1] =	stream.indirect_vreg.gather [hbm4b:s5+s3], $0x80, v3, vm0, $0xb8;
	[tilespmem:$0x18100] =	vst v63  }
0x45: {  	v3 =	vld [tilespmem:$0x20];
	_ =	sdelay $0x4  }
0x46: {  	v34 =	vshrl.u32 v3, $0x3  }
0x47: {  	v4 =	vmul.u32 $0x30, v34  }
0x48: {  	v3 =	vand.u32 $0x7, v3  }
0x49: {  	v3 =	vor.u32 v3, v4  }
0x4a: {  	v4 =	vperm.xlane v3, v0;
	_ =	sdelay $0x1  }
0x4b: {  	v4 =	vadd.s32 v1, v4;
	_ =	sdelay $0x3  }
0x4c: {  	s17 =	simm.s32 $0x6100;
	v3 =	vperm.xlane v3, v2  }
0x4d: {  	[tilespmem:s17], [sflag:$0x1] =	stream.indirect_vreg.gather [hbm4b:s1+s3], $0x80, v4, vm0, $0xb8;
	[tilespmem:$0x18100] =	vst v63  }
0x4e: {  	s19 =	simm.s32 $0x6900;
	v3 =	vadd.s32 v1, v3  }
0x4f: {  	[tilespmem:s19], [sflag:$0x1] =	stream.indirect_vreg.gather [hbm4b:s4+s3], $0x80, v4, vm0, $0xb8;
	[tilespmem:$0x18100] =	vst v63  }
0x50: {  	s20 =	simm.s32 $0x7100  }
0x51: {  	[tilespmem:s20], [sflag:$0x1] =	stream.indirect_vreg.gather [hbm4b:s5+s3], $0x80, v4, vm0, $0xb8;
	[tilespmem:$0x18100] =	vst v63  }
0x52: {  	s21 =	simm.s32 $0x7900  }
0x53: {  	[tilespmem:s21], [sflag:$0x1] =	stream.indirect_vreg.gather [hbm4b:s1+s3], $0x80, v3, vm0, $0xb8;
	[tilespmem:$0x18100] =	vst v63  }
0x54: {  	s22 =	simm.s32 $0x8100  }
0x55: {  	[tilespmem:s22], [sflag:$0x1] =	stream.indirect_vreg.gather [hbm4b:s4+s3], $0x80, v3, vm0, $0xb8;
	[tilespmem:$0x18100] =	vst v63  }
0x56: {  	s23 =	simm.s32 $0x8900  }
0x57: {  	[tilespmem:s23], [sflag:$0x1] =	stream.indirect_vreg.gather [hbm4b:s5+s3], $0x80, v3, vm0, $0xb8;
	[tilespmem:$0x18100] =	vst v63  }
0x58: {  	v3 =	vld [tilespmem:$0x30];
	_ =	sdelay $0x4  }
0x59: {  	v35 =	vshrl.u32 v3, $0x3  }
0x5a: {  	v4 =	vmul.u32 $0x30, v35  }
0x5b: {  	v3 =	vand.u32 $0x7, v3  }
0x5c: {  	v3 =	vor.u32 v3, v4  }
0x5d: {  	v4 =	vperm.xlane v3, v0;
	_ =	sdelay $0x1  }
0x5e: {  	v4 =	vadd.s32 v1, v4;
	_ =	sdelay $0x3  }
0x5f: {  	s24 =	simm.s32 $0x9100;
	v3 =	vperm.xlane v3, v2  }
0x60: {  	[tilespmem:s24], [sflag:$0x1] =	stream.indirect_vreg.gather [hbm4b:s1+s3], $0x80, v4, vm0, $0xb8;
	[tilespmem:$0x18100] =	vst v63  }
0x61: {  	s25 =	simm.s32 $0x9900;
	v3 =	vadd.s32 v1, v3  }
0x62: {  	[tilespmem:s25], [sflag:$0x1] =	stream.indirect_vreg.gather [hbm4b:s4+s3], $0x80, v4, vm0, $0xb8;
	[tilespmem:$0x18100] =	vst v63  }
0x63: {  	s29 =	simm.s32 $0xA100  }
0x64: {  	[tilespmem:s29], [sflag:$0x1] =	stream.indirect_vreg.gather [hbm4b:s5+s3], $0x80, v4, vm0, $0xb8;
	[tilespmem:$0x18100] =	vst v63  }
0x65: {  	s30 =	simm.s32 $0xA900  }
0x66: {  	[tilespmem:s30], [sflag:$0x1] =	stream.indirect_vreg.gather [hbm4b:s1+s3], $0x80, v3, vm0, $0xb8;
	[tilespmem:$0x18100] =	vst v63  }
0x67: {  	s2 =	simm.s32 $0xB100  }
0x68: {  	[tilespmem:s2], [sflag:$0x1] =	stream.indirect_vreg.gather [hbm4b:s4+s3], $0x80, v3, vm0, $0xb8;
	[tilespmem:$0x18100] =	vst v63  }
0x69: {  	s15 =	simm.s32 $0xB900  }
0x6a: {  	[tilespmem:s15], [sflag:$0x1] =	stream.indirect_vreg.gather [hbm4b:s5+s3], $0x80, v3, vm0, $0xb8;
	[tilespmem:$0x18100] =	vst v63  }
0x6b: {  	s8 =	rddreg [dreg:$0x5];
	s2 =	simm.s32 $0x80  }
0x6c: {  	[tilespmem:s2], [sflag:$0x3] =	stream.linear.gather [hbm4b:s8+s3], $0x40, $0x38;
	[tilespmem:$0x18100] =	vst v63  }
0x6d: {  	_ =	swait.ge [sflag:s7], $0x40  }
0x6e: {  	[sflag:s7] =	ssyncset.done $0x0  }
0x6f: {  	[sflag:s7] =	ssyncadd.s32 $0xFFFFFFC0  }
0x70: {  	v3 =	vld [tilespmem:$0x80];
	_ =	sdelay $0x4  }
0x71: {  	v36 =	vshrl.u32 v3, $0x3  }
0x72: {  	v4 =	vmul.u32 $0x30, v36  }
0x73: {  	v3 =	vand.u32 $0x7, v3  }
0x74: {  	v3 =	vor.u32 v3, v4  }
0x75: {  	v4 =	vperm.xlane v3, v0;
	_ =	sdelay $0x1  }
0x76: {  	v4 =	vadd.s32 v1, v4;
	_ =	sdelay $0x3  }
0x77: {  	v3 =	vperm.xlane v3, v2  }
0x78: {  	[tilespmem:s9], [sflag:$0x2] =	stream.indirect_vreg.gather [hbm4b:s1+s3], $0x80, v4, vm0, $0xb8;
	[tilespmem:$0x18100] =	vst v63  }
0x79: {  	s16 =	simm.s32 $0xC900;
	v3 =	vadd.s32 v1, v3  }
0x7a: {  	[tilespmem:s16], [sflag:$0x2] =	stream.indirect_vreg.gather [hbm4b:s4+s3], $0x80, v4, vm0, $0xb8;
	[tilespmem:$0x18100] =	vst v63  }
0x7b: {  	s17 =	simm.s32 $0xD100  }
0x7c: {  	[tilespmem:s17], [sflag:$0x2] =	stream.indirect_vreg.gather [hbm4b:s5+s3], $0x80, v4, vm0, $0xb8;
	[tilespmem:$0x18100] =	vst v63  }
0x7d: {  	s19 =	simm.s32 $0xD900  }
0x7e: {  	[tilespmem:s19], [sflag:$0x2] =	stream.indirect_vreg.gather [hbm4b:s1+s3], $0x80, v3, vm0, $0xb8;
	[tilespmem:$0x18100] =	vst v63  }
0x7f: {  	s20 =	simm.s32 $0xE100  }
0x80: {  	[tilespmem:s20], [sflag:$0x2] =	stream.indirect_vreg.gather [hbm4b:s4+s3], $0x80, v3, vm0, $0xb8;
	[tilespmem:$0x18100] =	vst v63  }
0x81: {  	s21 =	simm.s32 $0xE900  }
0x82: {  	[tilespmem:s21], [sflag:$0x2] =	stream.indirect_vreg.gather [hbm4b:s5+s3], $0x80, v3, vm0, $0xb8;
	[tilespmem:$0x18100] =	vst v63  }
0x83: {  	v3 =	vld [tilespmem:$0x90];
	_ =	sdelay $0x4  }
0x84: {  	v37 =	vshrl.u32 v3, $0x3  }
0x85: {  	v4 =	vmul.u32 $0x30, v37  }
0x86: {  	v3 =	vand.u32 $0x7, v3  }
0x87: {  	v3 =	vor.u32 v3, v4  }
0x88: {  	v4 =	vperm.xlane v3, v0;
	_ =	sdelay $0x1  }
0x89: {  	v4 =	vadd.s32 v1, v4;
	_ =	sdelay $0x3  }
0x8a: {  	s22 =	simm.s32 $0xF100;
	v3 =	vperm.xlane v3, v2  }
0x8b: {  	[tilespmem:s22], [sflag:$0x2] =	stream.indirect_vreg.gather [hbm4b:s1+s3], $0x80, v4, vm0, $0xb8;
	[tilespmem:$0x18100] =	vst v63  }
0x8c: {  	s23 =	simm.s32 $0xF900;
	v3 =	vadd.s32 v1, v3  }
0x8d: {  	[tilespmem:s23], [sflag:$0x2] =	stream.indirect_vreg.gather [hbm4b:s4+s3], $0x80, v4, vm0, $0xb8;
	[tilespmem:$0x18100] =	vst v63  }
0x8e: {  	s24 =	simm.s32 $0x10100  }
0x8f: {  	[tilespmem:s24], [sflag:$0x2] =	stream.indirect_vreg.gather [hbm4b:s5+s3], $0x80, v4, vm0, $0xb8;
	[tilespmem:$0x18100] =	vst v63  }
0x90: {  	s25 =	simm.s32 $0x10900  }
0x91: {  	[tilespmem:s25], [sflag:$0x2] =	stream.indirect_vreg.gather [hbm4b:s1+s3], $0x80, v3, vm0, $0xb8;
	[tilespmem:$0x18100] =	vst v63  }
0x92: {  	s29 =	simm.s32 $0x11100  }
0x93: {  	[tilespmem:s29], [sflag:$0x2] =	stream.indirect_vreg.gather [hbm4b:s4+s3], $0x80, v3, vm0, $0xb8;
	[tilespmem:$0x18100] =	vst v63  }
0x94: {  	s30 =	simm.s32 $0x11900  }
0x95: {  	[tilespmem:s30], [sflag:$0x2] =	stream.indirect_vreg.gather [hbm4b:s5+s3], $0x80, v3, vm0, $0xb8;
	[tilespmem:$0x18100] =	vst v63  }
0x96: {  	v3 =	vld [tilespmem:$0xA0];
	_ =	sdelay $0x4  }
0x97: {  	v38 =	vshrl.u32 v3, $0x3  }
0x98: {  	v4 =	vmul.u32 $0x30, v38  }
0x99: {  	v3 =	vand.u32 $0x7, v3  }
0x9a: {  	v3 =	vor.u32 v3, v4  }
0x9b: {  	v4 =	vperm.xlane v3, v0;
	_ =	sdelay $0x1  }
0x9c: {  	v4 =	vadd.s32 v1, v4;
	_ =	sdelay $0x3  }
0x9d: {  	s0 =	simm.s32 $0x12100;
	v3 =	vperm.xlane v3, v2  }
0x9e: {  	[tilespmem:s0], [sflag:$0x2] =	stream.indirect_vreg.gather [hbm4b:s1+s3], $0x80, v4, vm0, $0xb8;
	[tilespmem:$0x18100] =	vst v63  }
0x9f: {  	s2 =	simm.s32 $0x12900;
	v3 =	vadd.s32 v1, v3  }
0xa0: {  	[tilespmem:s2], [sflag:$0x2] =	stream.indirect_vreg.gather [hbm4b:s4+s3], $0x80, v4, vm0, $0xb8;
	[tilespmem:$0x18100] =	vst v63  }
0xa1: {  	s8 =	simm.s32 $0x13100  }
0xa2: {  	[tilespmem:s8], [sflag:$0x2] =	stream.indirect_vreg.gather [hbm4b:s5+s3], $0x80, v4, vm0, $0xb8;
	[tilespmem:$0x18100] =	vst v63  }
0xa3: {  	s15 =	simm.s32 $0x13900  }
0xa4: {  	[tilespmem:s15], [sflag:$0x2] =	stream.indirect_vreg.gather [hbm4b:s1+s3], $0x80, v3, vm0, $0xb8;
	[tilespmem:$0x18100] =	vst v63  }
0xa5: {  	s16 =	simm.s32 $0x14100  }
0xa6: {  	[tilespmem:s16], [sflag:$0x2] =	stream.indirect_vreg.gather [hbm4b:s4+s3], $0x80, v3, vm0, $0xb8;
	[tilespmem:$0x18100] =	vst v63  }
0xa7: {  	s17 =	simm.s32 $0x14900  }
0xa8: {  	[tilespmem:s17], [sflag:$0x2] =	stream.indirect_vreg.gather [hbm4b:s5+s3], $0x80, v3, vm0, $0xb8;
	[tilespmem:$0x18100] =	vst v63  }
0xa9: {  	v3 =	vld [tilespmem:$0xB0];
	_ =	sdelay $0x4  }
0xaa: {  	v39 =	vshrl.u32 v3, $0x3  }
0xab: {  	v4 =	vmul.u32 $0x30, v39  }
0xac: {  	v3 =	vand.u32 $0x7, v3  }
0xad: {  	v3 =	vor.u32 v3, v4  }
0xae: {  	v4 =	vperm.xlane v3, v0;
	_ =	sdelay $0x1  }
0xaf: {  	v4 =	vadd.s32 v1, v4;
	_ =	sdelay $0x3  }
0xb0: {  	s20 =	simm.s32 $0x15100;
	v3 =	vperm.xlane v3, v2  }
0xb1: {  	[tilespmem:s20], [sflag:$0x2] =	stream.indirect_vreg.gather [hbm4b:s1+s3], $0x80, v4, vm0, $0xb8;
	[tilespmem:$0x18100] =	vst v63  }
0xb2: {  	s21 =	simm.s32 $0x15900;
	v3 =	vadd.s32 v1, v3  }
0xb3: {  	[tilespmem:s21], [sflag:$0x2] =	stream.indirect_vreg.gather [hbm4b:s4+s3], $0x80, v4, vm0, $0xb8;
	[tilespmem:$0x18100] =	vst v63  }
0xb4: {  	s22 =	simm.s32 $0x16100  }
0xb5: {  	[tilespmem:s22], [sflag:$0x2] =	stream.indirect_vreg.gather [hbm4b:s5+s3], $0x80, v4, vm0, $0xb8;
	[tilespmem:$0x18100] =	vst v63  }
0xb6: {  	s23 =	simm.s32 $0x16900  }
0xb7: {  	[tilespmem:s23], [sflag:$0x2] =	stream.indirect_vreg.gather [hbm4b:s1+s3], $0x80, v3, vm0, $0xb8;
	[tilespmem:$0x18100] =	vst v63  }
0xb8: {  	s24 =	simm.s32 $0x17100  }
0xb9: {  	[tilespmem:s24], [sflag:$0x2] =	stream.indirect_vreg.gather [hbm4b:s4+s3], $0x80, v3, vm0, $0xb8;
	[tilespmem:$0x18100] =	vst v63  }
0xba: {  	s25 =	simm.s32 $0x17900  }
0xbb: {  	[tilespmem:s25], [sflag:$0x2] =	stream.indirect_vreg.gather [hbm4b:s5+s3], $0x80, v3, vm0, $0xb8;
	[tilespmem:$0x18100] =	vst v63  }
0xbc: {  	_ =	swait.ge [sflag:s10], $0xC000  }
0xbd: {  	[sflag:s10] =	ssyncset.done $0x0  }
0xbe: {  	s29 =	rddreg [dreg:$0x6];
	[sflag:s10] =	ssyncadd.s32 $0xFFFF4000  }
0xbf: {  	[hbm4b:s29+s3] =	stream.linear.scatter [tilespmem:s18], [sflag:$0x3], $0xC000, $0x38;
	[tilespmem:$0x18100] =	vst v63  }
0xc0: {  	_ =	swait.ge [sflag:s7], $0xC000  }
0xc1: {  	[sflag:s7] =	ssyncset.done $0x0  }
0xc2: {  	s30 =	rddreg [dreg:$0x7];
	[sflag:s7] =	ssyncadd.s32 $0xFFFF4000  }
0xc3: {  	[tilespmem:s3], [sflag:$0x3] =	stream.linear.gather [hbm4b:s30+s3], $0x40, $0x38;
	[tilespmem:$0x18100] =	vst v63  }
0xc4: {  	_ =	swait.ge [sflag:s7], $0x40  }
0xc5: {  	[sflag:s7] =	ssyncset.done $0x0  }
0xc6: {  	[sflag:s7] =	ssyncadd.s32 $0xFFFFFFC0  }
0xc7: {  	v3 =	vld [tilespmem:$0x0];
	_ =	sdelay $0x4  }
0xc8: {  	v40 =	vshrl.u32 v3, $0x3  }
0xc9: {  	v4 =	vmul.u32 $0x30, v40  }
0xca: {  	v3 =	vand.u32 $0x7, v3  }
0xcb: {  	v3 =	vor.u32 v3, v4  }
0xcc: {  	v4 =	vperm.xlane v3, v0;
	_ =	sdelay $0x1  }
0xcd: {  	v4 =	vadd.s32 v1, v4;
	_ =	sdelay $0x3  }
0xce: {  	v3 =	vperm.xlane v3, v2  }
0xcf: {  	[tilespmem:s18], [sflag:$0x1] =	stream.indirect_vreg.gather [hbm4b:s1+s3], $0x80, v4, vm0, $0xb8;
	[tilespmem:$0x18100] =	vst v63  }
0xd0: {  	s2 =	simm.s32 $0x900;
	v3 =	vadd.s32 v1, v3  }
0xd1: {  	[tilespmem:s2], [sflag:$0x1] =	stream.indirect_vreg.gather [hbm4b:s4+s3], $0x80, v4, vm0, $0xb8;
	[tilespmem:$0x18100] =	vst v63  }
0xd2: {  	s8 =	simm.s32 $0x1100  }
0xd3: {  	[tilespmem:s8], [sflag:$0x1] =	stream.indirect_vreg.gather [hbm4b:s5+s3], $0x80, v4, vm0, $0xb8;
	[tilespmem:$0x18100] =	vst v63  }
0xd4: {  	s20 =	simm.s32 $0x1900  }
0xd5: {  	[tilespmem:s20], [sflag:$0x1] =	stream.indirect_vreg.gather [hbm4b:s1+s3], $0x80, v3, vm0, $0xb8;
	[tilespmem:$0x18100] =	vst v63  }
0xd6: {  	s21 =	simm.s32 $0x2100  }
0xd7: {  	[tilespmem:s21], [sflag:$0x1] =	stream.indirect_vreg.gather [hbm4b:s4+s3], $0x80, v3, vm0, $0xb8;
	[tilespmem:$0x18100] =	vst v63  }
0xd8: {  	s13 =	simm.s32 $0x2900  }
0xd9: {  	[tilespmem:s13], [sflag:$0x1] =	stream.indirect_vreg.gather [hbm4b:s5+s3], $0x80, v3, vm0, $0xb8;
	[tilespmem:$0x18100] =	vst v63  }
0xda: {  	v3 =	vld [tilespmem:$0x10];
	_ =	sdelay $0x4  }
0xdb: {  	v41 =	vshrl.u32 v3, $0x3  }
0xdc: {  	v4 =	vmul.u32 $0x30, v41  }
0xdd: {  	v3 =	vand.u32 $0x7, v3  }
0xde: {  	v3 =	vor.u32 v3, v4  }
0xdf: {  	v4 =	vperm.xlane v3, v0;
	_ =	sdelay $0x1  }
0xe0: {  	v4 =	vadd.s32 v1, v4;
	_ =	sdelay $0x3  }
0xe1: {  	s14 =	simm.s32 $0x3100;
	v3 =	vperm.xlane v3, v2  }
0xe2: {  	[tilespmem:s14], [sflag:$0x1] =	stream.indirect_vreg.gather [hbm4b:s1+s3], $0x80, v4, vm0, $0xb8;
	[tilespmem:$0x18100] =	vst v63  }
0xe3: {  	s22 =	simm.s32 $0x3900;
	v3 =	vadd.s32 v1, v3  }
0xe4: {  	[tilespmem:s22], [sflag:$0x1] =	stream.indirect_vreg.gather [hbm4b:s4+s3], $0x80, v4, vm0, $0xb8;
	[tilespmem:$0x18100] =	vst v63  }
0xe5: {  	s23 =	simm.s32 $0x4100  }
0xe6: {  	[tilespmem:s23], [sflag:$0x1] =	stream.indirect_vreg.gather [hbm4b:s5+s3], $0x80, v4, vm0, $0xb8;
	[tilespmem:$0x18100] =	vst v63  }
0xe7: {  	s24 =	simm.s32 $0x4900  }
0xe8: {  	[tilespmem:s24], [sflag:$0x1] =	stream.indirect_vreg.gather [hbm4b:s1+s3], $0x80, v3, vm0, $0xb8;
	[tilespmem:$0x18100] =	vst v63  }
0xe9: {  	s25 =	simm.s32 $0x5100  }
0xea: {  	[tilespmem:s25], [sflag:$0x1] =	stream.indirect_vreg.gather [hbm4b:s4+s3], $0x80, v3, vm0, $0xb8;
	[tilespmem:$0x18100] =	vst v63  }
0xeb: {  	s26 =	simm.s32 $0x5900  }
0xec: {  	[tilespmem:s26], [sflag:$0x1] =	stream.indirect_vreg.gather [hbm4b:s5+s3], $0x80, v3, vm0, $0xb8;
	[tilespmem:$0x18100] =	vst v63  }
0xed: {  	v3 =	vld [tilespmem:$0x20];
	_ =	sdelay $0x4  }
0xee: {  	v42 =	vshrl.u32 v3, $0x3  }
0xef: {  	v4 =	vmul.u32 $0x30, v42  }
0xf0: {  	v3 =	vand.u32 $0x7, v3  }
0xf1: {  	v3 =	vor.u32 v3, v4  }
0xf2: {  	v4 =	vperm.xlane v3, v0;
	_ =	sdelay $0x1  }
0xf3: {  	v4 =	vadd.s32 v1, v4;
	_ =	sdelay $0x3  }
0xf4: {  	s28 =	simm.s32 $0x6100;
	v3 =	vperm.xlane v3, v2  }
0xf5: {  	[tilespmem:s28], [sflag:$0x1] =	stream.indirect_vreg.gather [hbm4b:s1+s3], $0x80, v4, vm0, $0xb8;
	[tilespmem:$0x18100] =	vst v63  }
0xf6: {  	s26 =	simm.s32 $0x6900;
	v3 =	vadd.s32 v1, v3  }
0xf7: {  	[tilespmem:s26], [sflag:$0x1] =	stream.indirect_vreg.gather [hbm4b:s4+s3], $0x80, v4, vm0, $0xb8;
	[tilespmem:$0x18100] =	vst v63  }
0xf8: {  	s28 =	simm.s32 $0x7100  }
0xf9: {  	[tilespmem:s28], [sflag:$0x1] =	stream.indirect_vreg.gather [hbm4b:s5+s3], $0x80, v4, vm0, $0xb8;
	[tilespmem:$0x18100] =	vst v63  }
0xfa: {  	s29 =	simm.s32 $0x7900  }
0xfb: {  	[tilespmem:s29], [sflag:$0x1] =	stream.indirect_vreg.gather [hbm4b:s1+s3], $0x80, v3, vm0, $0xb8;
	[tilespmem:$0x18100] =	vst v63  }
0xfc: {  	s30 =	simm.s32 $0x8100  }
0xfd: {  	[tilespmem:s30], [sflag:$0x1] =	stream.indirect_vreg.gather [hbm4b:s4+s3], $0x80, v3, vm0, $0xb8;
	[tilespmem:$0x18100] =	vst v63  }
0xfe: {  	s31 =	simm.s32 $0x8900  }
0xff: {  	[tilespmem:s31], [sflag:$0x1] =	stream.indirect_vreg.gather [hbm4b:s5+s3], $0x80, v3, vm0, $0xb8;
	[tilespmem:$0x18100] =	vst v63  }
0x100: {  	v3 =	vld [tilespmem:$0x30];
	_ =	sdelay $0x4  }
0x101: {  	v43 =	vshrl.u32 v3, $0x3  }
0x102: {  	v4 =	vmul.u32 $0x30, v43  }
0x103: {  	v3 =	vand.u32 $0x7, v3  }
0x104: {  	v3 =	vor.u32 v3, v4  }
0x105: {  	v4 =	vperm.xlane v3, v0;
	_ =	sdelay $0x1  }
0x106: {  	v4 =	vadd.s32 v1, v4;
	_ =	sdelay $0x3  }
0x107: {  	s15 =	simm.s32 $0x9100;
	v3 =	vperm.xlane v3, v2  }
0x108: {  	[tilespmem:s15], [sflag:$0x1] =	stream.indirect_vreg.gather [hbm4b:s1+s3], $0x80, v4, vm0, $0xb8;
	[tilespmem:$0x18100] =	vst v63  }
0x109: {  	s31 =	simm.s32 $0x9900;
	v3 =	vadd.s32 v1, v3  }
0x10a: {  	[tilespmem:s31], [sflag:$0x1] =	stream.indirect_vreg.gather [hbm4b:s4+s3], $0x80, v4, vm0, $0xb8;
	[tilespmem:$0x18100] =	vst v63  }
0x10b: {  	s13 =	simm.s32 $0xA100  }
0x10c: {  	[tilespmem:s13], [sflag:$0x1] =	stream.indirect_vreg.gather [hbm4b:s5+s3], $0x80, v4, vm0, $0xb8;
	[tilespmem:$0x18100] =	vst v63  }
0x10d: {  	s14 =	simm.s32 $0xA900  }
0x10e: {  	[tilespmem:s14], [sflag:$0x1] =	stream.indirect_vreg.gather [hbm4b:s1+s3], $0x80, v3, vm0, $0xb8;
	[tilespmem:$0x18100] =	vst v63  }
0x10f: {  	s16 =	simm.s32 $0xB100  }
0x110: {  	[tilespmem:s16], [sflag:$0x1] =	stream.indirect_vreg.gather [hbm4b:s4+s3], $0x80, v3, vm0, $0xb8;
	[tilespmem:$0x18100] =	vst v63  }
0x111: {  	s17 =	simm.s32 $0xB900  }
0x112: {  	[tilespmem:s17], [sflag:$0x1] =	stream.indirect_vreg.gather [hbm4b:s5+s3], $0x80, v3, vm0, $0xb8;
	[tilespmem:$0x18100] =	vst v63  }
0x113: {  	_ =	swait.ge [sflag:s11], $0xC000  }
0x114: {  	[sflag:s11] =	ssyncset.done $0x0  }
0x115: {  	s0 =	rddreg [dreg:$0x8];
	[sflag:s11] =	ssyncadd.s32 $0xFFFF4000  }
0x116: {  	[hbm4b:s0+s3] =	stream.linear.scatter [tilespmem:s9], [sflag:$0x3], $0xC000, $0x38;
	[tilespmem:$0x18100] =	vst v63  }
0x117: {  	_ =	swait.ge [sflag:s7], $0xC000  }
0x118: {  	[sflag:s7] =	ssyncset.done $0x0  }
0x119: {  	s0 =	simm.s32 $0x80;
	s12 =	rddreg [dreg:$0x9];
	[sflag:s7] =	ssyncadd.s32 $0xFFFF4000  }
0x11a: {  	[tilespmem:s0], [sflag:$0x3] =	stream.linear.gather [hbm4b:s12+s3], $0x40, $0x38;
	[tilespmem:$0x18100] =	vst v63  }
0x11b: {  	_ =	swait.ge [sflag:s7], $0x40  }
0x11c: {  	[sflag:s7] =	ssyncset.done $0x0  }
0x11d: {  	[sflag:s7] =	ssyncadd.s32 $0xFFFFFFC0  }
0x11e: {  	v3 =	vld [tilespmem:$0x80];
	_ =	sdelay $0x4  }
0x11f: {  	v44 =	vshrl.u32 v3, $0x3  }
0x120: {  	v4 =	vmul.u32 $0x30, v44  }
0x121: {  	v3 =	vand.u32 $0x7, v3  }
0x122: {  	v3 =	vor.u32 v3, v4  }
0x123: {  	v4 =	vperm.xlane v3, v0;
	_ =	sdelay $0x1  }
0x124: {  	v4 =	vadd.s32 v1, v4;
	_ =	sdelay $0x3  }
0x125: {  	v3 =	vperm.xlane v3, v2  }
0x126: {  	[tilespmem:s9], [sflag:$0x2] =	stream.indirect_vreg.gather [hbm4b:s1+s3], $0x80, v4, vm0, $0xb8;
	[tilespmem:$0x18100] =	vst v63  }
0x127: {  	s12 =	simm.s32 $0xC900;
	v3 =	vadd.s32 v1, v3  }
0x128: {  	[tilespmem:s12], [sflag:$0x2] =	stream.indirect_vreg.gather [hbm4b:s4+s3], $0x80, v4, vm0, $0xb8;
	[tilespmem:$0x18100] =	vst v63  }
0x129: {  	s12 =	simm.s32 $0xD100  }
0x12a: {  	[tilespmem:s12], [sflag:$0x2] =	stream.indirect_vreg.gather [hbm4b:s5+s3], $0x80, v4, vm0, $0xb8;
	[tilespmem:$0x18100] =	vst v63  }
0x12b: {  	s12 =	simm.s32 $0xD900  }
0x12c: {  	[tilespmem:s12], [sflag:$0x2] =	stream.indirect_vreg.gather [hbm4b:s1+s3], $0x80, v3, vm0, $0xb8;
	[tilespmem:$0x18100] =	vst v63  }
0x12d: {  	s12 =	simm.s32 $0xE100  }
0x12e: {  	[tilespmem:s12], [sflag:$0x2] =	stream.indirect_vreg.gather [hbm4b:s4+s3], $0x80, v3, vm0, $0xb8;
	[tilespmem:$0x18100] =	vst v63  }
0x12f: {  	s19 =	simm.s32 $0xE900  }
0x130: {  	[tilespmem:s19], [sflag:$0x2] =	stream.indirect_vreg.gather [hbm4b:s5+s3], $0x80, v3, vm0, $0xb8;
	[tilespmem:$0x18100] =	vst v63  }
0x131: {  	v3 =	vld [tilespmem:$0x90];
	_ =	sdelay $0x4  }
0x132: {  	v45 =	vshrl.u32 v3, $0x3  }
0x133: {  	v4 =	vmul.u32 $0x30, v45  }
0x134: {  	v3 =	vand.u32 $0x7, v3  }
0x135: {  	v3 =	vor.u32 v3, v4  }
0x136: {  	v4 =	vperm.xlane v3, v0;
	_ =	sdelay $0x1  }
0x137: {  	v4 =	vadd.s32 v1, v4;
	_ =	sdelay $0x3  }
0x138: {  	s19 =	simm.s32 $0xF100;
	v3 =	vperm.xlane v3, v2  }
0x139: {  	[tilespmem:s19], [sflag:$0x2] =	stream.indirect_vreg.gather [hbm4b:s1+s3], $0x80, v4, vm0, $0xb8;
	[tilespmem:$0x18100] =	vst v63  }
0x13a: {  	v3 =	vadd.s32 v1, v3;
	s19 =	simm.s32 $0xF900  }
0x13b: {  	[tilespmem:s19], [sflag:$0x2] =	stream.indirect_vreg.gather [hbm4b:s4+s3], $0x80, v4, vm0, $0xb8;
	[tilespmem:$0x18100] =	vst v63  }
0x13c: {  	s19 =	simm.s32 $0x10100  }
0x13d: {  	[tilespmem:s19], [sflag:$0x2] =	stream.indirect_vreg.gather [hbm4b:s5+s3], $0x80, v4, vm0, $0xb8;
	[tilespmem:$0x18100] =	vst v63  }
0x13e: {  	s19 =	simm.s32 $0x10900  }
0x13f: {  	[tilespmem:s19], [sflag:$0x2] =	stream.indirect_vreg.gather [hbm4b:s1+s3], $0x80, v3, vm0, $0xb8;
	[tilespmem:$0x18100] =	vst v63  }
0x140: {  	s19 =	simm.s32 $0x11100  }
0x141: {  	[tilespmem:s19], [sflag:$0x2] =	stream.indirect_vreg.gather [hbm4b:s4+s3], $0x80, v3, vm0, $0xb8;
	[tilespmem:$0x18100] =	vst v63  }
0x142: {  	s19 =	simm.s32 $0x11900  }
0x143: {  	[tilespmem:s19], [sflag:$0x2] =	stream.indirect_vreg.gather [hbm4b:s5+s3], $0x80, v3, vm0, $0xb8;
	[tilespmem:$0x18100] =	vst v63  }
0x144: {  	v3 =	vld [tilespmem:$0xA0];
	_ =	sdelay $0x4  }
0x145: {  	v46 =	vshrl.u32 v3, $0x3  }
0x146: {  	v4 =	vmul.u32 $0x30, v46  }
0x147: {  	v3 =	vand.u32 $0x7, v3  }
0x148: {  	v3 =	vor.u32 v3, v4  }
0x149: {  	v4 =	vperm.xlane v3, v0;
	_ =	sdelay $0x1  }
0x14a: {  	v4 =	vadd.s32 v1, v4;
	_ =	sdelay $0x3  }
0x14b: {  	s19 =	simm.s32 $0x12100;
	v3 =	vperm.xlane v3, v2  }
0x14c: {  	[tilespmem:s19], [sflag:$0x2] =	stream.indirect_vreg.gather [hbm4b:s1+s3], $0x80, v4, vm0, $0xb8;
	[tilespmem:$0x18100] =	vst v63  }
0x14d: {  	v3 =	vadd.s32 v1, v3;
	s19 =	simm.s32 $0x12900  }
0x14e: {  	[tilespmem:s19], [sflag:$0x2] =	stream.indirect_vreg.gather [hbm4b:s4+s3], $0x80, v4, vm0, $0xb8;
	[tilespmem:$0x18100] =	vst v63  }
0x14f: {  	s19 =	simm.s32 $0x13100  }
0x150: {  	[tilespmem:s19], [sflag:$0x2] =	stream.indirect_vreg.gather [hbm4b:s5+s3], $0x80, v4, vm0, $0xb8;
	[tilespmem:$0x18100] =	vst v63  }
0x151: {  	s19 =	simm.s32 $0x13900  }
0x152: {  	[tilespmem:s19], [sflag:$0x2] =	stream.indirect_vreg.gather [hbm4b:s1+s3], $0x80, v3, vm0, $0xb8;
	[tilespmem:$0x18100] =	vst v63  }
0x153: {  	s19 =	simm.s32 $0x14100  }
0x154: {  	[tilespmem:s19], [sflag:$0x2] =	stream.indirect_vreg.gather [hbm4b:s4+s3], $0x80, v3, vm0, $0xb8;
	[tilespmem:$0x18100] =	vst v63  }
0x155: {  	s19 =	simm.s32 $0x14900  }
0x156: {  	[tilespmem:s19], [sflag:$0x2] =	stream.indirect_vreg.gather [hbm4b:s5+s3], $0x80, v3, vm0, $0xb8;
	[tilespmem:$0x18100] =	vst v63  }
0x157: {  	v3 =	vld [tilespmem:$0xB0];
	_ =	sdelay $0x4  }
0x158: {  	v47 =	vshrl.u32 v3, $0x3  }
0x159: {  	v4 =	vmul.u32 $0x30, v47  }
0x15a: {  	v3 =	vand.u32 $0x7, v3  }
0x15b: {  	v3 =	vor.u32 v3, v4  }
0x15c: {  	v4 =	vperm.xlane v3, v0;
	_ =	sdelay $0x1  }
0x15d: {  	v4 =	vadd.s32 v1, v4;
	_ =	sdelay $0x3  }
0x15e: {  	s19 =	simm.s32 $0x15100;
	v3 =	vperm.xlane v3, v2  }
0x15f: {  	[tilespmem:s19], [sflag:$0x2] =	stream.indirect_vreg.gather [hbm4b:s1+s3], $0x80, v4, vm0, $0xb8;
	[tilespmem:$0x18100] =	vst v63  }
0x160: {  	v3 =	vadd.s32 v1, v3;
	s19 =	simm.s32 $0x15900  }
0x161: {  	[tilespmem:s19], [sflag:$0x2] =	stream.indirect_vreg.gather [hbm4b:s4+s3], $0x80, v4, vm0, $0xb8;
	[tilespmem:$0x18100] =	vst v63  }
0x162: {  	s19 =	simm.s32 $0x16100  }
0x163: {  	[tilespmem:s19], [sflag:$0x2] =	stream.indirect_vreg.gather [hbm4b:s5+s3], $0x80, v4, vm0, $0xb8;
	[tilespmem:$0x18100] =	vst v63  }
0x164: {  	s19 =	simm.s32 $0x16900  }
0x165: {  	[tilespmem:s19], [sflag:$0x2] =	stream.indirect_vreg.gather [hbm4b:s1+s3], $0x80, v3, vm0, $0xb8;
	[tilespmem:$0x18100] =	vst v63  }
0x166: {  	s19 =	simm.s32 $0x17100  }
0x167: {  	[tilespmem:s19], [sflag:$0x2] =	stream.indirect_vreg.gather [hbm4b:s4+s3], $0x80, v3, vm0, $0xb8;
	[tilespmem:$0x18100] =	vst v63  }
0x168: {  	s19 =	simm.s32 $0x17900  }
0x169: {  	[tilespmem:s19], [sflag:$0x2] =	stream.indirect_vreg.gather [hbm4b:s5+s3], $0x80, v3, vm0, $0xb8;
	[tilespmem:$0x18100] =	vst v63  }
0x16a: {  	_ =	swait.ge [sflag:s10], $0xC000  }
0x16b: {  	[sflag:s10] =	ssyncset.done $0x0  }
0x16c: {  	s19 =	rddreg [dreg:$0xa];
	[sflag:s10] =	ssyncadd.s32 $0xFFFF4000  }
0x16d: {  	[hbm4b:s19+s3] =	stream.linear.scatter [tilespmem:s18], [sflag:$0x3], $0xC000, $0x38;
	[tilespmem:$0x18100] =	vst v63  }
0x16e: {  	_ =	swait.ge [sflag:s7], $0xC000  }
0x16f: {  	[sflag:s7] =	ssyncset.done $0x0  }
0x170: {  	s19 =	rddreg [dreg:$0xb];
	[sflag:s7] =	ssyncadd.s32 $0xFFFF4000  }
0x171: {  	[tilespmem:s3], [sflag:$0x3] =	stream.linear.gather [hbm4b:s19+s3], $0x40, $0x38;
	[tilespmem:$0x18100] =	vst v63  }
0x172: {  	_ =	swait.ge [sflag:s7], $0x40  }
0x173: {  	[sflag:s7] =	ssyncset.done $0x0  }
0x174: {  	[sflag:s7] =	ssyncadd.s32 $0xFFFFFFC0  }
0x175: {  	v3 =	vld [tilespmem:$0x0];
	_ =	sdelay $0x4  }
0x176: {  	v48 =	vshrl.u32 v3, $0x3  }
0x177: {  	v4 =	vmul.u32 $0x30, v48  }
0x178: {  	v3 =	vand.u32 $0x7, v3  }
0x179: {  	v3 =	vor.u32 v3, v4  }
0x17a: {  	v4 =	vperm.xlane v3, v0;
	_ =	sdelay $0x1  }
0x17b: {  	v4 =	vadd.s32 v1, v4;
	_ =	sdelay $0x3  }
0x17c: {  	v3 =	vperm.xlane v3, v2  }
0x17d: {  	[tilespmem:s18], [sflag:$0x1] =	stream.indirect_vreg.gather [hbm4b:s1+s3], $0x80, v4, vm0, $0xb8;
	[tilespmem:$0x18100] =	vst v63  }
0x17e: {  	v3 =	vadd.s32 v1, v3  }
0x17f: {  	[tilespmem:s2], [sflag:$0x1] =	stream.indirect_vreg.gather [hbm4b:s4+s3], $0x80, v4, vm0, $0xb8;
	[tilespmem:$0x18100] =	vst v63  }
0x180: {  	_ = 	snop  }
0x181: {  	[tilespmem:s8], [sflag:$0x1] =	stream.indirect_vreg.gather [hbm4b:s5+s3], $0x80, v4, vm0, $0xb8;
	[tilespmem:$0x18100] =	vst v63  }
0x182: {  	_ = 	snop  }
0x183: {  	[tilespmem:s20], [sflag:$0x1] =	stream.indirect_vreg.gather [hbm4b:s1+s3], $0x80, v3, vm0, $0xb8;
	[tilespmem:$0x18100] =	vst v63  }
0x184: {  	_ = 	snop  }
0x185: {  	[tilespmem:s21], [sflag:$0x1] =	stream.indirect_vreg.gather [hbm4b:s4+s3], $0x80, v3, vm0, $0xb8;
	[tilespmem:$0x18100] =	vst v63  }
0x186: {  	s21 =	simm.s32 $0x2900  }
0x187: {  	[tilespmem:s21], [sflag:$0x1] =	stream.indirect_vreg.gather [hbm4b:s5+s3], $0x80, v3, vm0, $0xb8;
	[tilespmem:$0x18100] =	vst v63  }
0x188: {  	v3 =	vld [tilespmem:$0x10];
	_ =	sdelay $0x4  }
0x189: {  	v49 =	vshrl.u32 v3, $0x3  }
0x18a: {  	v4 =	vmul.u32 $0x30, v49  }
0x18b: {  	v3 =	vand.u32 $0x7, v3  }
0x18c: {  	v3 =	vor.u32 v3, v4  }
0x18d: {  	v4 =	vperm.xlane v3, v0;
	_ =	sdelay $0x1  }
0x18e: {  	v4 =	vadd.s32 v1, v4;
	_ =	sdelay $0x3  }
0x18f: {  	s21 =	simm.s32 $0x3100;
	v3 =	vperm.xlane v3, v2  }
0x190: {  	[tilespmem:s21], [sflag:$0x1] =	stream.indirect_vreg.gather [hbm4b:s1+s3], $0x80, v4, vm0, $0xb8;
	[tilespmem:$0x18100] =	vst v63  }
0x191: {  	v3 =	vadd.s32 v1, v3  }
0x192: {  	[tilespmem:s22], [sflag:$0x1] =	stream.indirect_vreg.gather [hbm4b:s4+s3], $0x80, v4, vm0, $0xb8;
	[tilespmem:$0x18100] =	vst v63  }
0x193: {  	_ = 	snop  }
0x194: {  	[tilespmem:s23], [sflag:$0x1] =	stream.indirect_vreg.gather [hbm4b:s5+s3], $0x80, v4, vm0, $0xb8;
	[tilespmem:$0x18100] =	vst v63  }
0x195: {  	_ = 	snop  }
0x196: {  	[tilespmem:s24], [sflag:$0x1] =	stream.indirect_vreg.gather [hbm4b:s1+s3], $0x80, v3, vm0, $0xb8;
	[tilespmem:$0x18100] =	vst v63  }
0x197: {  	_ = 	snop  }
0x198: {  	[tilespmem:s25], [sflag:$0x1] =	stream.indirect_vreg.gather [hbm4b:s4+s3], $0x80, v3, vm0, $0xb8;
	[tilespmem:$0x18100] =	vst v63  }
0x199: {  	s25 =	simm.s32 $0x5900  }
0x19a: {  	[tilespmem:s25], [sflag:$0x1] =	stream.indirect_vreg.gather [hbm4b:s5+s3], $0x80, v3, vm0, $0xb8;
	[tilespmem:$0x18100] =	vst v63  }
0x19b: {  	v3 =	vld [tilespmem:$0x20];
	_ =	sdelay $0x4  }
0x19c: {  	v50 =	vshrl.u32 v3, $0x3  }
0x19d: {  	v4 =	vmul.u32 $0x30, v50  }
0x19e: {  	v3 =	vand.u32 $0x7, v3  }
0x19f: {  	v3 =	vor.u32 v3, v4  }
0x1a0: {  	v4 =	vperm.xlane v3, v0;
	_ =	sdelay $0x1  }
0x1a1: {  	v4 =	vadd.s32 v1, v4;
	_ =	sdelay $0x3  }
0x1a2: {  	s25 =	simm.s32 $0x6100;
	v3 =	vperm.xlane v3, v2  }
0x1a3: {  	[tilespmem:s25], [sflag:$0x1] =	stream.indirect_vreg.gather [hbm4b:s1+s3], $0x80, v4, vm0, $0xb8;
	[tilespmem:$0x18100] =	vst v63  }
0x1a4: {  	v3 =	vadd.s32 v1, v3  }
0x1a5: {  	[tilespmem:s26], [sflag:$0x1] =	stream.indirect_vreg.gather [hbm4b:s4+s3], $0x80, v4, vm0, $0xb8;
	[tilespmem:$0x18100] =	vst v63  }
0x1a6: {  	_ = 	snop  }
0x1a7: {  	[tilespmem:s28], [sflag:$0x1] =	stream.indirect_vreg.gather [hbm4b:s5+s3], $0x80, v4, vm0, $0xb8;
	[tilespmem:$0x18100] =	vst v63  }
0x1a8: {  	_ = 	snop  }
0x1a9: {  	[tilespmem:s29], [sflag:$0x1] =	stream.indirect_vreg.gather [hbm4b:s1+s3], $0x80, v3, vm0, $0xb8;
	[tilespmem:$0x18100] =	vst v63  }
0x1aa: {  	_ = 	snop  }
0x1ab: {  	[tilespmem:s30], [sflag:$0x1] =	stream.indirect_vreg.gather [hbm4b:s4+s3], $0x80, v3, vm0, $0xb8;
	[tilespmem:$0x18100] =	vst v63  }
0x1ac: {  	s30 =	simm.s32 $0x8900  }
0x1ad: {  	[tilespmem:s30], [sflag:$0x1] =	stream.indirect_vreg.gather [hbm4b:s5+s3], $0x80, v3, vm0, $0xb8;
	[tilespmem:$0x18100] =	vst v63  }
0x1ae: {  	v3 =	vld [tilespmem:$0x30];
	_ =	sdelay $0x4  }
0x1af: {  	v51 =	vshrl.u32 v3, $0x3  }
0x1b0: {  	v4 =	vmul.u32 $0x30, v51  }
0x1b1: {  	v3 =	vand.u32 $0x7, v3  }
0x1b2: {  	v3 =	vor.u32 v3, v4  }
0x1b3: {  	v4 =	vperm.xlane v3, v0;
	_ =	sdelay $0x1  }
0x1b4: {  	v4 =	vadd.s32 v1, v4;
	_ =	sdelay $0x3  }
0x1b5: {  	v3 =	vperm.xlane v3, v2  }
0x1b6: {  	[tilespmem:s15], [sflag:$0x1] =	stream.indirect_vreg.gather [hbm4b:s1+s3], $0x80, v4, vm0, $0xb8;
	[tilespmem:$0x18100] =	vst v63  }
0x1b7: {  	v3 =	vadd.s32 v1, v3  }
0x1b8: {  	[tilespmem:s31], [sflag:$0x1] =	stream.indirect_vreg.gather [hbm4b:s4+s3], $0x80, v4, vm0, $0xb8;
	[tilespmem:$0x18100] =	vst v63  }
0x1b9: {  	_ = 	snop  }
0x1ba: {  	[tilespmem:s13], [sflag:$0x1] =	stream.indirect_vreg.gather [hbm4b:s5+s3], $0x80, v4, vm0, $0xb8;
	[tilespmem:$0x18100] =	vst v63  }
0x1bb: {  	_ = 	snop  }
0x1bc: {  	[tilespmem:s14], [sflag:$0x1] =	stream.indirect_vreg.gather [hbm4b:s1+s3], $0x80, v3, vm0, $0xb8;
	[tilespmem:$0x18100] =	vst v63  }
0x1bd: {  	_ = 	snop  }
0x1be: {  	[tilespmem:s16], [sflag:$0x1] =	stream.indirect_vreg.gather [hbm4b:s4+s3], $0x80, v3, vm0, $0xb8;
	[tilespmem:$0x18100] =	vst v63  }
0x1bf: {  	_ = 	snop  }
0x1c0: {  	[tilespmem:s17], [sflag:$0x1] =	stream.indirect_vreg.gather [hbm4b:s5+s3], $0x80, v3, vm0, $0xb8;
	[tilespmem:$0x18100] =	vst v63  }
0x1c1: {  	_ =	swait.ge [sflag:s11], $0xC000  }
0x1c2: {  	[sflag:s11] =	ssyncset.done $0x0  }
0x1c3: {  	s31 =	rddreg [dreg:$0xc];
	[sflag:s11] =	ssyncadd.s32 $0xFFFF4000  }
0x1c4: {  	[hbm4b:s31+s3] =	stream.linear.scatter [tilespmem:s9], [sflag:$0x3], $0xC000, $0x38;
	[tilespmem:$0x18100] =	vst v63  }
0x1c5: {  	_ =	swait.ge [sflag:s7], $0xC000  }
0x1c6: {  	[sflag:s7] =	ssyncset.done $0x0  }
0x1c7: {  	s31 =	rddreg [dreg:$0xd];
	[sflag:s7] =	ssyncadd.s32 $0xFFFF4000  }
0x1c8: {  	[tilespmem:s0], [sflag:$0x3] =	stream.linear.gather [hbm4b:s31+s3], $0x40, $0x38;
	[tilespmem:$0x18100] =	vst v63  }
0x1c9: {  	_ =	swait.ge [sflag:s7], $0x40  }
0x1ca: {  	[sflag:s7] =	ssyncset.done $0x0  }
0x1cb: {  	[sflag:s7] =	ssyncadd.s32 $0xFFFFFFC0  }
0x1cc: {  	v3 =	vld [tilespmem:$0x80];
	_ =	sdelay $0x4  }
0x1cd: {  	v52 =	vshrl.u32 v3, $0x3  }
0x1ce: {  	v4 =	vmul.u32 $0x30, v52  }
0x1cf: {  	v3 =	vand.u32 $0x7, v3  }
0x1d0: {  	v3 =	vor.u32 v3, v4  }
0x1d1: {  	v4 =	vperm.xlane v3, v0;
	_ =	sdelay $0x1  }
0x1d2: {  	v4 =	vadd.s32 v1, v4;
	_ =	sdelay $0x3  }
0x1d3: {  	v3 =	vperm.xlane v3, v2  }
0x1d4: {  	[tilespmem:s9], [sflag:$0x2] =	stream.indirect_vreg.gather [hbm4b:s1+s3], $0x80, v4, vm0, $0xb8;
	[tilespmem:$0x18100] =	vst v63  }
0x1d5: {  	s31 =	simm.s32 $0xC900;
	v3 =	vadd.s32 v1, v3  }
0x1d6: {  	[tilespmem:s31], [sflag:$0x2] =	stream.indirect_vreg.gather [hbm4b:s4+s3], $0x80, v4, vm0, $0xb8;
	[tilespmem:$0x18100] =	vst v63  }
0x1d7: {  	s31 =	simm.s32 $0xD100  }
0x1d8: {  	[tilespmem:s31], [sflag:$0x2] =	stream.indirect_vreg.gather [hbm4b:s5+s3], $0x80, v4, vm0, $0xb8;
	[tilespmem:$0x18100] =	vst v63  }
0x1d9: {  	s12 =	simm.s32 $0xD900  }
0x1da: {  	[tilespmem:s12], [sflag:$0x2] =	stream.indirect_vreg.gather [hbm4b:s1+s3], $0x80, v3, vm0, $0xb8;
	[tilespmem:$0x18100] =	vst v63  }
0x1db: {  	s12 =	simm.s32 $0xE100  }
0x1dc: {  	[tilespmem:s12], [sflag:$0x2] =	stream.indirect_vreg.gather [hbm4b:s4+s3], $0x80, v3, vm0, $0xb8;
	[tilespmem:$0x18100] =	vst v63  }
0x1dd: {  	s12 =	simm.s32 $0xE900  }
0x1de: {  	[tilespmem:s12], [sflag:$0x2] =	stream.indirect_vreg.gather [hbm4b:s5+s3], $0x80, v3, vm0, $0xb8;
	[tilespmem:$0x18100] =	vst v63  }
0x1df: {  	v3 =	vld [tilespmem:$0x90];
	_ =	sdelay $0x4  }
0x1e0: {  	v53 =	vshrl.u32 v3, $0x3  }
0x1e1: {  	v4 =	vmul.u32 $0x30, v53  }
0x1e2: {  	v3 =	vand.u32 $0x7, v3  }
0x1e3: {  	v3 =	vor.u32 v3, v4  }
0x1e4: {  	v4 =	vperm.xlane v3, v0;
	_ =	sdelay $0x1  }
0x1e5: {  	v4 =	vadd.s32 v1, v4;
	_ =	sdelay $0x3  }
0x1e6: {  	s12 =	simm.s32 $0xF100;
	v3 =	vperm.xlane v3, v2  }
0x1e7: {  	[tilespmem:s12], [sflag:$0x2] =	stream.indirect_vreg.gather [hbm4b:s1+s3], $0x80, v4, vm0, $0xb8;
	[tilespmem:$0x18100] =	vst v63  }
0x1e8: {  	v3 =	vadd.s32 v1, v3;
	s12 =	simm.s32 $0xF900  }
0x1e9: {  	[tilespmem:s12], [sflag:$0x2] =	stream.indirect_vreg.gather [hbm4b:s4+s3], $0x80, v4, vm0, $0xb8;
	[tilespmem:$0x18100] =	vst v63  }
0x1ea: {  	s12 =	simm.s32 $0x10100  }
0x1eb: {  	[tilespmem:s12], [sflag:$0x2] =	stream.indirect_vreg.gather [hbm4b:s5+s3], $0x80, v4, vm0, $0xb8;
	[tilespmem:$0x18100] =	vst v63  }
0x1ec: {  	s12 =	simm.s32 $0x10900  }
0x1ed: {  	[tilespmem:s12], [sflag:$0x2] =	stream.indirect_vreg.gather [hbm4b:s1+s3], $0x80, v3, vm0, $0xb8;
	[tilespmem:$0x18100] =	vst v63  }
0x1ee: {  	s12 =	simm.s32 $0x11100  }
0x1ef: {  	[tilespmem:s12], [sflag:$0x2] =	stream.indirect_vreg.gather [hbm4b:s4+s3], $0x80, v3, vm0, $0xb8;
	[tilespmem:$0x18100] =	vst v63  }
0x1f0: {  	s12 =	simm.s32 $0x11900  }
0x1f1: {  	[tilespmem:s12], [sflag:$0x2] =	stream.indirect_vreg.gather [hbm4b:s5+s3], $0x80, v3, vm0, $0xb8;
	[tilespmem:$0x18100] =	vst v63  }
0x1f2: {  	v3 =	vld [tilespmem:$0xA0];
	_ =	sdelay $0x4  }
0x1f3: {  	v54 =	vshrl.u32 v3, $0x3  }
0x1f4: {  	v4 =	vmul.u32 $0x30, v54  }
0x1f5: {  	v3 =	vand.u32 $0x7, v3  }
0x1f6: {  	v3 =	vor.u32 v3, v4  }
0x1f7: {  	v4 =	vperm.xlane v3, v0;
	_ =	sdelay $0x1  }
0x1f8: {  	v4 =	vadd.s32 v1, v4;
	_ =	sdelay $0x3  }
0x1f9: {  	s12 =	simm.s32 $0x12100;
	v3 =	vperm.xlane v3, v2  }
0x1fa: {  	[tilespmem:s12], [sflag:$0x2] =	stream.indirect_vreg.gather [hbm4b:s1+s3], $0x80, v4, vm0, $0xb8;
	[tilespmem:$0x18100] =	vst v63  }
0x1fb: {  	v3 =	vadd.s32 v1, v3;
	s12 =	simm.s32 $0x12900  }
0x1fc: {  	[tilespmem:s12], [sflag:$0x2] =	stream.indirect_vreg.gather [hbm4b:s4+s3], $0x80, v4, vm0, $0xb8;
	[tilespmem:$0x18100] =	vst v63  }
0x1fd: {  	s12 =	simm.s32 $0x13100  }
0x1fe: {  	[tilespmem:s12], [sflag:$0x2] =	stream.indirect_vreg.gather [hbm4b:s5+s3], $0x80, v4, vm0, $0xb8;
	[tilespmem:$0x18100] =	vst v63  }
0x1ff: {  	s12 =	simm.s32 $0x13900  }
0x200: {  	[tilespmem:s12], [sflag:$0x2] =	stream.indirect_vreg.gather [hbm4b:s1+s3], $0x80, v3, vm0, $0xb8;
	[tilespmem:$0x18100] =	vst v63  }
0x201: {  	s12 =	simm.s32 $0x14100  }
0x202: {  	[tilespmem:s12], [sflag:$0x2] =	stream.indirect_vreg.gather [hbm4b:s4+s3], $0x80, v3, vm0, $0xb8;
	[tilespmem:$0x18100] =	vst v63  }
0x203: {  	s12 =	simm.s32 $0x14900  }
0x204: {  	[tilespmem:s12], [sflag:$0x2] =	stream.indirect_vreg.gather [hbm4b:s5+s3], $0x80, v3, vm0, $0xb8;
	[tilespmem:$0x18100] =	vst v63  }
0x205: {  	v3 =	vld [tilespmem:$0xB0];
	_ =	sdelay $0x4  }
0x206: {  	v55 =	vshrl.u32 v3, $0x3  }
0x207: {  	v4 =	vmul.u32 $0x30, v55  }
0x208: {  	v3 =	vand.u32 $0x7, v3  }
0x209: {  	v3 =	vor.u32 v3, v4  }
0x20a: {  	v4 =	vperm.xlane v3, v0;
	_ =	sdelay $0x1  }
0x20b: {  	v4 =	vadd.s32 v1, v4;
	_ =	sdelay $0x3  }
0x20c: {  	s12 =	simm.s32 $0x15100;
	v3 =	vperm.xlane v3, v2  }
0x20d: {  	[tilespmem:s12], [sflag:$0x2] =	stream.indirect_vreg.gather [hbm4b:s1+s3], $0x80, v4, vm0, $0xb8;
	[tilespmem:$0x18100] =	vst v63  }
0x20e: {  	v3 =	vadd.s32 v1, v3;
	s12 =	simm.s32 $0x15900  }
0x20f: {  	[tilespmem:s12], [sflag:$0x2] =	stream.indirect_vreg.gather [hbm4b:s4+s3], $0x80, v4, vm0, $0xb8;
	[tilespmem:$0x18100] =	vst v63  }
0x210: {  	s12 =	simm.s32 $0x16100  }
0x211: {  	[tilespmem:s12], [sflag:$0x2] =	stream.indirect_vreg.gather [hbm4b:s5+s3], $0x80, v4, vm0, $0xb8;
	[tilespmem:$0x18100] =	vst v63  }
0x212: {  	s12 =	simm.s32 $0x16900  }
0x213: {  	[tilespmem:s12], [sflag:$0x2] =	stream.indirect_vreg.gather [hbm4b:s1+s3], $0x80, v3, vm0, $0xb8;
	[tilespmem:$0x18100] =	vst v63  }
0x214: {  	s12 =	simm.s32 $0x17100  }
0x215: {  	[tilespmem:s12], [sflag:$0x2] =	stream.indirect_vreg.gather [hbm4b:s4+s3], $0x80, v3, vm0, $0xb8;
	[tilespmem:$0x18100] =	vst v63  }
0x216: {  	s12 =	simm.s32 $0x17900  }
0x217: {  	[tilespmem:s12], [sflag:$0x2] =	stream.indirect_vreg.gather [hbm4b:s5+s3], $0x80, v3, vm0, $0xb8;
	[tilespmem:$0x18100] =	vst v63  }
0x218: {  	_ =	swait.ge [sflag:s10], $0xC000  }
0x219: {  	[sflag:s10] =	ssyncset.done $0x0  }
0x21a: {  	s12 =	rddreg [dreg:$0xe];
	[sflag:s10] =	ssyncadd.s32 $0xFFFF4000  }
0x21b: {  	[hbm4b:s12+s3] =	stream.linear.scatter [tilespmem:s18], [sflag:$0x3], $0xC000, $0x38;
	[tilespmem:$0x18100] =	vst v63  }
0x21c: {  	_ =	swait.ge [sflag:s7], $0xC000  }
0x21d: {  	[sflag:s7] =	ssyncset.done $0x0  }
0x21e: {  	s12 =	rddreg [dreg:$0xf];
	[sflag:s7] =	ssyncadd.s32 $0xFFFF4000  }
0x21f: {  	[tilespmem:s3], [sflag:$0x3] =	stream.linear.gather [hbm4b:s12+s3], $0x40, $0x38;
	[tilespmem:$0x18100] =	vst v63  }
0x220: {  	_ =	swait.ge [sflag:s7], $0x40  }
0x221: {  	[sflag:s7] =	ssyncset.done $0x0  }
0x222: {  	[sflag:s7] =	ssyncadd.s32 $0xFFFFFFC0  }
0x223: {  	v3 =	vld [tilespmem:$0x0];
	_ =	sdelay $0x4  }
0x224: {  	v56 =	vshrl.u32 v3, $0x3  }
0x225: {  	v4 =	vmul.u32 $0x30, v56  }
0x226: {  	v3 =	vand.u32 $0x7, v3  }
0x227: {  	v3 =	vor.u32 v3, v4  }
0x228: {  	v4 =	vperm.xlane v3, v0;
	_ =	sdelay $0x1  }
0x229: {  	v4 =	vadd.s32 v1, v4;
	_ =	sdelay $0x3  }
0x22a: {  	v3 =	vperm.xlane v3, v2  }
0x22b: {  	[tilespmem:s18], [sflag:$0x1] =	stream.indirect_vreg.gather [hbm4b:s1+s3], $0x80, v4, vm0, $0xb8;
	[tilespmem:$0x18100] =	vst v63  }
0x22c: {  	s2 =	simm.s32 $0x900;
	v3 =	vadd.s32 v1, v3  }
0x22d: {  	[tilespmem:s2], [sflag:$0x1] =	stream.indirect_vreg.gather [hbm4b:s4+s3], $0x80, v4, vm0, $0xb8;
	[tilespmem:$0x18100] =	vst v63  }
0x22e: {  	s8 =	simm.s32 $0x1100  }
0x22f: {  	[tilespmem:s8], [sflag:$0x1] =	stream.indirect_vreg.gather [hbm4b:s5+s3], $0x80, v4, vm0, $0xb8;
	[tilespmem:$0x18100] =	vst v63  }
0x230: {  	s19 =	simm.s32 $0x1900  }
0x231: {  	[tilespmem:s19], [sflag:$0x1] =	stream.indirect_vreg.gather [hbm4b:s1+s3], $0x80, v3, vm0, $0xb8;
	[tilespmem:$0x18100] =	vst v63  }
0x232: {  	s20 =	simm.s32 $0x2100  }
0x233: {  	[tilespmem:s20], [sflag:$0x1] =	stream.indirect_vreg.gather [hbm4b:s4+s3], $0x80, v3, vm0, $0xb8;
	[tilespmem:$0x18100] =	vst v63  }
0x234: {  	s19 =	simm.s32 $0x2900  }
0x235: {  	[tilespmem:s19], [sflag:$0x1] =	stream.indirect_vreg.gather [hbm4b:s5+s3], $0x80, v3, vm0, $0xb8;
	[tilespmem:$0x18100] =	vst v63  }
0x236: {  	v3 =	vld [tilespmem:$0x10];
	_ =	sdelay $0x4  }
0x237: {  	v57 =	vshrl.u32 v3, $0x3  }
0x238: {  	v4 =	vmul.u32 $0x30, v57  }
0x239: {  	v3 =	vand.u32 $0x7, v3  }
0x23a: {  	v3 =	vor.u32 v3, v4  }
0x23b: {  	v4 =	vperm.xlane v3, v0;
	_ =	sdelay $0x1  }
0x23c: {  	v4 =	vadd.s32 v1, v4;
	_ =	sdelay $0x3  }
0x23d: {  	s20 =	simm.s32 $0x3100;
	v3 =	vperm.xlane v3, v2  }
0x23e: {  	[tilespmem:s20], [sflag:$0x1] =	stream.indirect_vreg.gather [hbm4b:s1+s3], $0x80, v4, vm0, $0xb8;
	[tilespmem:$0x18100] =	vst v63  }
0x23f: {  	s21 =	simm.s32 $0x3900;
	v3 =	vadd.s32 v1, v3  }
0x240: {  	[tilespmem:s21], [sflag:$0x1] =	stream.indirect_vreg.gather [hbm4b:s4+s3], $0x80, v4, vm0, $0xb8;
	[tilespmem:$0x18100] =	vst v63  }
0x241: {  	s22 =	simm.s32 $0x4100  }
0x242: {  	[tilespmem:s22], [sflag:$0x1] =	stream.indirect_vreg.gather [hbm4b:s5+s3], $0x80, v4, vm0, $0xb8;
	[tilespmem:$0x18100] =	vst v63  }
0x243: {  	s23 =	simm.s32 $0x4900  }
0x244: {  	[tilespmem:s23], [sflag:$0x1] =	stream.indirect_vreg.gather [hbm4b:s1+s3], $0x80, v3, vm0, $0xb8;
	[tilespmem:$0x18100] =	vst v63  }
0x245: {  	s24 =	simm.s32 $0x5100  }
0x246: {  	[tilespmem:s24], [sflag:$0x1] =	stream.indirect_vreg.gather [hbm4b:s4+s3], $0x80, v3, vm0, $0xb8;
	[tilespmem:$0x18100] =	vst v63  }
0x247: {  	s22 =	simm.s32 $0x5900  }
0x248: {  	[tilespmem:s22], [sflag:$0x1] =	stream.indirect_vreg.gather [hbm4b:s5+s3], $0x80, v3, vm0, $0xb8;
	[tilespmem:$0x18100] =	vst v63  }
0x249: {  	v3 =	vld [tilespmem:$0x20];
	_ =	sdelay $0x4  }
0x24a: {  	v58 =	vshrl.u32 v3, $0x3  }
0x24b: {  	v4 =	vmul.u32 $0x30, v58  }
0x24c: {  	v3 =	vand.u32 $0x7, v3  }
0x24d: {  	v3 =	vor.u32 v3, v4  }
0x24e: {  	v4 =	vperm.xlane v3, v0;
	_ =	sdelay $0x1  }
0x24f: {  	v4 =	vadd.s32 v1, v4;
	_ =	sdelay $0x3  }
0x250: {  	s23 =	simm.s32 $0x6100;
	v3 =	vperm.xlane v3, v2  }
0x251: {  	[tilespmem:s23], [sflag:$0x1] =	stream.indirect_vreg.gather [hbm4b:s1+s3], $0x80, v4, vm0, $0xb8;
	[tilespmem:$0x18100] =	vst v63  }
0x252: {  	s25 =	simm.s32 $0x6900;
	v3 =	vadd.s32 v1, v3  }
0x253: {  	[tilespmem:s25], [sflag:$0x1] =	stream.indirect_vreg.gather [hbm4b:s4+s3], $0x80, v4, vm0, $0xb8;
	[tilespmem:$0x18100] =	vst v63  }
0x254: {  	s26 =	simm.s32 $0x7100  }
0x255: {  	[tilespmem:s26], [sflag:$0x1] =	stream.indirect_vreg.gather [hbm4b:s5+s3], $0x80, v4, vm0, $0xb8;
	[tilespmem:$0x18100] =	vst v63  }
0x256: {  	s28 =	simm.s32 $0x7900  }
0x257: {  	[tilespmem:s28], [sflag:$0x1] =	stream.indirect_vreg.gather [hbm4b:s1+s3], $0x80, v3, vm0, $0xb8;
	[tilespmem:$0x18100] =	vst v63  }
0x258: {  	s29 =	simm.s32 $0x8100  }
0x259: {  	[tilespmem:s29], [sflag:$0x1] =	stream.indirect_vreg.gather [hbm4b:s4+s3], $0x80, v3, vm0, $0xb8;
	[tilespmem:$0x18100] =	vst v63  }
0x25a: {  	s24 =	simm.s32 $0x8900  }
0x25b: {  	[tilespmem:s24], [sflag:$0x1] =	stream.indirect_vreg.gather [hbm4b:s5+s3], $0x80, v3, vm0, $0xb8;
	[tilespmem:$0x18100] =	vst v63  }
0x25c: {  	v3 =	vld [tilespmem:$0x30];
	_ =	sdelay $0x4  }
0x25d: {  	v59 =	vshrl.u32 v3, $0x3  }
0x25e: {  	v4 =	vmul.u32 $0x30, v59  }
0x25f: {  	v3 =	vand.u32 $0x7, v3  }
0x260: {  	v3 =	vor.u32 v3, v4  }
0x261: {  	v4 =	vperm.xlane v3, v0;
	_ =	sdelay $0x1  }
0x262: {  	v4 =	vadd.s32 v1, v4;
	_ =	sdelay $0x3  }
0x263: {  	s15 =	simm.s32 $0x9100;
	v3 =	vperm.xlane v3, v2  }
0x264: {  	[tilespmem:s15], [sflag:$0x1] =	stream.indirect_vreg.gather [hbm4b:s1+s3], $0x80, v4, vm0, $0xb8;
	[tilespmem:$0x18100] =	vst v63  }
0x265: {  	s30 =	simm.s32 $0x9900;
	v3 =	vadd.s32 v1, v3  }
0x266: {  	[tilespmem:s30], [sflag:$0x1] =	stream.indirect_vreg.gather [hbm4b:s4+s3], $0x80, v4, vm0, $0xb8;
	[tilespmem:$0x18100] =	vst v63  }
0x267: {  	s13 =	simm.s32 $0xA100  }
0x268: {  	[tilespmem:s13], [sflag:$0x1] =	stream.indirect_vreg.gather [hbm4b:s5+s3], $0x80, v4, vm0, $0xb8;
	[tilespmem:$0x18100] =	vst v63  }
0x269: {  	s14 =	simm.s32 $0xA900  }
0x26a: {  	[tilespmem:s14], [sflag:$0x1] =	stream.indirect_vreg.gather [hbm4b:s1+s3], $0x80, v3, vm0, $0xb8;
	[tilespmem:$0x18100] =	vst v63  }
0x26b: {  	s16 =	simm.s32 $0xB100  }
0x26c: {  	[tilespmem:s16], [sflag:$0x1] =	stream.indirect_vreg.gather [hbm4b:s4+s3], $0x80, v3, vm0, $0xb8;
	[tilespmem:$0x18100] =	vst v63  }
0x26d: {  	s17 =	simm.s32 $0xB900  }
0x26e: {  	[tilespmem:s17], [sflag:$0x1] =	stream.indirect_vreg.gather [hbm4b:s5+s3], $0x80, v3, vm0, $0xb8;
	[tilespmem:$0x18100] =	vst v63  }
0x26f: {  	_ =	swait.ge [sflag:s11], $0xC000  }
0x270: {  	[sflag:s11] =	ssyncset.done $0x0  }
0x271: {  	s25 =	rddreg [dreg:$0x10];
	[sflag:s11] =	ssyncadd.s32 $0xFFFF4000  }
0x272: {  	[hbm4b:s25+s3] =	stream.linear.scatter [tilespmem:s9], [sflag:$0x3], $0xC000, $0x38;
	[tilespmem:$0x18100] =	vst v63  }
0x273: {  	_ =	swait.ge [sflag:s7], $0xC000  }
0x274: {  	[sflag:s7] =	ssyncset.done $0x0  }
0x275: {  	s0 =	simm.s32 $0x80;
	s26 =	rddreg [dreg:$0x11];
	[sflag:s7] =	ssyncadd.s32 $0xFFFF4000  }
0x276: {  	[tilespmem:s0], [sflag:$0x3] =	stream.linear.gather [hbm4b:s26+s3], $0x40, $0x38;
	[tilespmem:$0x18100] =	vst v63  }
0x277: {  	_ =	swait.ge [sflag:s7], $0x40  }
0x278: {  	[sflag:s7] =	ssyncset.done $0x0  }
0x279: {  	[sflag:s7] =	ssyncadd.s32 $0xFFFFFFC0  }
0x27a: {  	v3 =	vld [tilespmem:$0x80];
	_ =	sdelay $0x4  }
0x27b: {  	v60 =	vshrl.u32 v3, $0x3  }
0x27c: {  	v4 =	vmul.u32 $0x30, v60  }
0x27d: {  	v3 =	vand.u32 $0x7, v3  }
0x27e: {  	v3 =	vor.u32 v3, v4  }
0x27f: {  	v4 =	vperm.xlane v3, v0;
	_ =	sdelay $0x1  }
0x280: {  	v4 =	vadd.s32 v1, v4;
	_ =	sdelay $0x3  }
0x281: {  	v3 =	vperm.xlane v3, v2  }
0x282: {  	[tilespmem:s9], [sflag:$0x2] =	stream.indirect_vreg.gather [hbm4b:s1+s3], $0x80, v4, vm0, $0xb8;
	[tilespmem:$0x18100] =	vst v63  }
0x283: {  	s28 =	simm.s32 $0xC900;
	v3 =	vadd.s32 v1, v3  }
0x284: {  	[tilespmem:s28], [sflag:$0x2] =	stream.indirect_vreg.gather [hbm4b:s4+s3], $0x80, v4, vm0, $0xb8;
	[tilespmem:$0x18100] =	vst v63  }
0x285: {  	s31 =	simm.s32 $0xD100  }
0x286: {  	[tilespmem:s31], [sflag:$0x2] =	stream.indirect_vreg.gather [hbm4b:s5+s3], $0x80, v4, vm0, $0xb8;
	[tilespmem:$0x18100] =	vst v63  }
0x287: {  	s29 =	simm.s32 $0xD900  }
0x288: {  	[tilespmem:s29], [sflag:$0x2] =	stream.indirect_vreg.gather [hbm4b:s1+s3], $0x80, v3, vm0, $0xb8;
	[tilespmem:$0x18100] =	vst v63  }
0x289: {  	s30 =	simm.s32 $0xE100  }
0x28a: {  	[tilespmem:s30], [sflag:$0x2] =	stream.indirect_vreg.gather [hbm4b:s4+s3], $0x80, v3, vm0, $0xb8;
	[tilespmem:$0x18100] =	vst v63  }
0x28b: {  	s31 =	simm.s32 $0xE900  }
0x28c: {  	[tilespmem:s31], [sflag:$0x2] =	stream.indirect_vreg.gather [hbm4b:s5+s3], $0x80, v3, vm0, $0xb8;
	[tilespmem:$0x18100] =	vst v63  }
0x28d: {  	v3 =	vld [tilespmem:$0x90];
	_ =	sdelay $0x4  }
0x28e: {  	v61 =	vshrl.u32 v3, $0x3  }
0x28f: {  	v4 =	vmul.u32 $0x30, v61  }
0x290: {  	v3 =	vand.u32 $0x7, v3  }
0x291: {  	v3 =	vor.u32 v3, v4  }
0x292: {  	v4 =	vperm.xlane v3, v0;
	_ =	sdelay $0x1  }
0x293: {  	v4 =	vadd.s32 v1, v4;
	_ =	sdelay $0x3  }
0x294: {  	s2 =	simm.s32 $0xF100;
	v3 =	vperm.xlane v3, v2  }
0x295: {  	[tilespmem:s2], [sflag:$0x2] =	stream.indirect_vreg.gather [hbm4b:s1+s3], $0x80, v4, vm0, $0xb8;
	[tilespmem:$0x18100] =	vst v63  }
0x296: {  	s8 =	simm.s32 $0xF900;
	v3 =	vadd.s32 v1, v3  }
0x297: {  	[tilespmem:s8], [sflag:$0x2] =	stream.indirect_vreg.gather [hbm4b:s4+s3], $0x80, v4, vm0, $0xb8;
	[tilespmem:$0x18100] =	vst v63  }
0x298: {  	s12 =	simm.s32 $0x10100  }
0x299: {  	[tilespmem:s12], [sflag:$0x2] =	stream.indirect_vreg.gather [hbm4b:s5+s3], $0x80, v4, vm0, $0xb8;
	[tilespmem:$0x18100] =	vst v63  }
0x29a: {  	s13 =	simm.s32 $0x10900  }
0x29b: {  	[tilespmem:s13], [sflag:$0x2] =	stream.indirect_vreg.gather [hbm4b:s1+s3], $0x80, v3, vm0, $0xb8;
	[tilespmem:$0x18100] =	vst v63  }
0x29c: {  	s14 =	simm.s32 $0x11100  }
0x29d: {  	[tilespmem:s14], [sflag:$0x2] =	stream.indirect_vreg.gather [hbm4b:s4+s3], $0x80, v3, vm0, $0xb8;
	[tilespmem:$0x18100] =	vst v63  }
0x29e: {  	s15 =	simm.s32 $0x11900  }
0x29f: {  	[tilespmem:s15], [sflag:$0x2] =	stream.indirect_vreg.gather [hbm4b:s5+s3], $0x80, v3, vm0, $0xb8;
	[tilespmem:$0x18100] =	vst v63  }
0x2a0: {  	v3 =	vld [tilespmem:$0xA0];
	_ =	sdelay $0x4  }
0x2a1: {  	v62 =	vshrl.u32 v3, $0x3  }
0x2a2: {  	v4 =	vmul.u32 $0x30, v62  }
0x2a3: {  	v3 =	vand.u32 $0x7, v3  }
0x2a4: {  	v3 =	vor.u32 v3, v4  }
0x2a5: {  	v4 =	vperm.xlane v3, v0;
	_ =	sdelay $0x1  }
0x2a6: {  	v4 =	vadd.s32 v1, v4;
	_ =	sdelay $0x3  }
0x2a7: {  	s16 =	simm.s32 $0x12100;
	v3 =	vperm.xlane v3, v2  }
0x2a8: {  	[tilespmem:s16], [sflag:$0x2] =	stream.indirect_vreg.gather [hbm4b:s1+s3], $0x80, v4, vm0, $0xb8;
	[tilespmem:$0x18100] =	vst v63  }
0x2a9: {  	s17 =	simm.s32 $0x12900;
	v3 =	vadd.s32 v1, v3  }
0x2aa: {  	[tilespmem:s17], [sflag:$0x2] =	stream.indirect_vreg.gather [hbm4b:s4+s3], $0x80, v4, vm0, $0xb8;
	[tilespmem:$0x18100] =	vst v63  }
0x2ab: {  	s19 =	simm.s32 $0x13100  }
0x2ac: {  	[tilespmem:s19], [sflag:$0x2] =	stream.indirect_vreg.gather [hbm4b:s5+s3], $0x80, v4, vm0, $0xb8;
	[tilespmem:$0x18100] =	vst v63  }
0x2ad: {  	s20 =	simm.s32 $0x13900  }
0x2ae: {  	[tilespmem:s20], [sflag:$0x2] =	stream.indirect_vreg.gather [hbm4b:s1+s3], $0x80, v3, vm0, $0xb8;
	[tilespmem:$0x18100] =	vst v63  }
0x2af: {  	s21 =	simm.s32 $0x14100  }
0x2b0: {  	[tilespmem:s21], [sflag:$0x2] =	stream.indirect_vreg.gather [hbm4b:s4+s3], $0x80, v3, vm0, $0xb8;
	[tilespmem:$0x18100] =	vst v63  }
0x2b1: {  	s22 =	simm.s32 $0x14900  }
0x2b2: {  	[tilespmem:s22], [sflag:$0x2] =	stream.indirect_vreg.gather [hbm4b:s5+s3], $0x80, v3, vm0, $0xb8;
	[tilespmem:$0x18100] =	vst v63  }
0x2b3: {  	v3 =	vld [tilespmem:$0xB0];
	_ =	sdelay $0x4  }
0x2b4: {  	v63 =	vshrl.u32 v3, $0x3  }
0x2b5: {  	v4 =	vmul.u32 $0x30, v63  }
0x2b6: {  	v3 =	vand.u32 $0x7, v3  }
0x2b7: {  	v3 =	vor.u32 v3, v4  }
0x2b8: {  	v4 =	vperm.xlane v3, v0;
	_ =	sdelay $0x1  }
0x2b9: {  	v4 =	vadd.s32 v1, v4;
	_ =	sdelay $0x3  }
0x2ba: {  	s23 =	simm.s32 $0x15100;
	v3 =	vperm.xlane v3, v2  }
0x2bb: {  	[tilespmem:s23], [sflag:$0x2] =	stream.indirect_vreg.gather [hbm4b:s1+s3], $0x80, v4, vm0, $0xb8;
	[tilespmem:$0x18100] =	vst v63  }
0x2bc: {  	s24 =	simm.s32 $0x15900;
	v3 =	vadd.s32 v1, v3  }
0x2bd: {  	[tilespmem:s24], [sflag:$0x2] =	stream.indirect_vreg.gather [hbm4b:s4+s3], $0x80, v4, vm0, $0xb8;
	[tilespmem:$0x18100] =	vst v63  }
0x2be: {  	s25 =	simm.s32 $0x16100  }
0x2bf: {  	[tilespmem:s25], [sflag:$0x2] =	stream.indirect_vreg.gather [hbm4b:s5+s3], $0x80, v4, vm0, $0xb8;
	[tilespmem:$0x18100] =	vst v63  }
0x2c0: {  	s26 =	simm.s32 $0x16900  }
0x2c1: {  	[tilespmem:s26], [sflag:$0x2] =	stream.indirect_vreg.gather [hbm4b:s1+s3], $0x80, v3, vm0, $0xb8;
	[tilespmem:$0x18100] =	vst v63  }
0x2c2: {  	s28 =	simm.s32 $0x17100  }
0x2c3: {  	[tilespmem:s28], [sflag:$0x2] =	stream.indirect_vreg.gather [hbm4b:s4+s3], $0x80, v3, vm0, $0xb8;
	[tilespmem:$0x18100] =	vst v63  }
0x2c4: {  	s29 =	simm.s32 $0x17900  }
0x2c5: {  	[tilespmem:s29], [sflag:$0x2] =	stream.indirect_vreg.gather [hbm4b:s5+s3], $0x80, v3, vm0, $0xb8;
	[tilespmem:$0x18100] =	vst v63  }
0x2c6: {  	_ =	swait.ge [sflag:s10], $0xC000  }
0x2c7: {  	[sflag:s10] =	ssyncset.done $0x0  }
0x2c8: {  	s30 =	rddreg [dreg:$0x12];
	[sflag:s10] =	ssyncadd.s32 $0xFFFF4000  }
0x2c9: {  	[hbm4b:s30+s3] =	stream.linear.scatter [tilespmem:s18], [sflag:$0x3], $0xC000, $0x38;
	[tilespmem:$0x18100] =	vst v63  }
0x2ca: {  	_ =	swait.ge [sflag:s7], $0xC000  }
0x2cb: {  	[sflag:s7] =	ssyncset.done $0x0  }
0x2cc: {  	[sflag:s7] =	ssyncadd.s32 $0xFFFF4000  }
0x2cd: {  	_ =	swait.ge [sflag:s11], $0xC000  }
0x2ce: {  	p0 =	sne.s32 s6, $0x1;
	[sflag:s11] =	ssyncset.done $0x0  }
.Ltmp0:
0x2cf: {  	s31 =	rddreg [dreg:$0x13];
	[sflag:s11] =	ssyncadd.s32 $0xFFFF4000;
	(pc) =	sbr.rel @p0 .LBB2_1-.Ltmp0, $4  }
0x2d0: {  	[hbm4b:s31+s3] =	stream.linear.scatter [tilespmem:s9], [sflag:$0x3], $0xC000, $0x38;
	[tilespmem:$0x18100] =	vst v63  }
0x2d1: {  	_ =	swait.ge [sflag:s7], $0xC000  }
0x2d2: {  	[sflag:s7] =	ssyncset.done $0x0  }
0x2d3: {  	s6 =	sadd.s32 $0xFFFFFFFF, s6;
	[sflag:s7] =	ssyncadd.s32 $0xFFFF4000  }
0x2d4: {  	_ =	sfence.sel $0x180000  }
0x2d5: {  	[bflag:$0x0] =	sbarrier.arrive $0xFFFF  }
0x2d6: {  	_ =	strace $0x90000047  }
0x2d7: {  	s0 =	stileid.u32;
	[bflag:$0x2] =	sbarrier.arrive $0xFFFF  }
0x2d8: {  	p0 =	sne.s32 s0, $0x0;
	s0 =	rddreg [dreg:$0x3]  }
0x2d9: {  	s0 =	sadd.s32 @!p0 $0x100000, s0  }
0x2da: {  	[sflag:s0] =	ssyncadd.tile.s32 @!p0 $0x1;
	_ =	shalt  }
.Lfunc_end2:
_tile_overlayer_lowered:
.L_overlay_start_2:
0x2db: {  	(tag) =	ssettag $0x2  }
0x2dc: {  	s0 =	rddreg [dreg:$0x0];
	s2 =	stileid.u32  }
0x2dd: {  	s1 =	rddreg [dreg:$0x1];
	p0 =	sne.s32 s2, $0x0  }
0x2de: {  	s3 =	rddreg [dreg:$0x2];
	[bflag:$0x3] =	sbarrier.arrive $0xFFFF;
	s2 =	simm.s32 @!p0 $0x1C03  }
0x2df: {  	[timem:s3], [sflag:s2] =	dma.local @!p0 [hbm:s0], s1  }
0x2e0: {  	s0 =	simm.s32 @!p0 $0x3  }
0x2e1: {  	_ =	swait.ge @!p0 [sflag:s0], s1  }
0x2e2: {  	s1 =	ssub.s32 @!p0 $0x0, s1;
	[sflag:s0] =	ssyncset.done @!p0 $0x0  }
0x2e3: {  	[sflag:s0] =	ssyncadd.s32 @!p0 s1  }
0x2e4: {  	[bflag:$0x3] =	sbarrier.arrive $0xFFFF  }
0x2e5: {  	_ =	shalt  }

</sc_bundles>
